<compile_context>
chip_gen: v7x
topology: tpu7x:2x2x1
jax: 0.10.2.dev20260603
libtpu: 0.0.44.dev20260713+nightly
codegen_flags: <defaults>
</compile_context>

<pallas_src>
import functools

import jax
import jax.numpy as jnp
from jax import lax
from jax.experimental import pallas as pl
from jax.experimental.pallas import tpu as pltpu
from jax.experimental.pallas import tpu_sc as plsc

_B = 16384
_C = 1000
_CP = 1024
_BM = 2048
_GRID = _B // _BM
_NS = 16
_PER_TILE = _B // _NS
_PR = _PER_TILE // 128


def _argmax_body(x_ref, out_ref):
    x = x_ref[...]
    m = jnp.max(x, axis=1, keepdims=True)
    idx = lax.broadcasted_iota(jnp.int32, (_BM, _C), 1)
    masked = jnp.where(x == m, idx, _C)
    pred = jnp.min(masked, axis=1)
    out_ref[...] = pred.reshape(_BM // 128, 128)


def _sc_hist_body(pred_hbm, lab_hbm, zi_hbm, out_hbm,
                  pred_v, lab_v, hpp, htp, part_pp, part_tp,
                  zrow, app2, atp2, ov, row0, sh_pp, sh_tp):
    cid = lax.axis_index("c")
    sid = lax.axis_index("s")

    pltpu.sync_copy(zi_hbm, row0)
    pltpu.sync_copy(pred_hbm.at[pl.ds(sid * _PR, _PR), :], pred_v)
    pltpu.sync_copy(lab_hbm.at[pl.ds(sid * _PER_TILE, _PER_TILE)], lab_v)

    z16 = jnp.zeros((16,), jnp.float32)

    def _zero(j, _):
        for u in range(16):
            hpp[pl.ds(j * 256 + u * 16, 16)] = z16
            htp[pl.ds(j * 256 + u * 16, 16)] = z16
        return 0

    lax.fori_loop(0, 16 * _CP // 256, _zero, 0)

    @pl.when(sid == 0)
    def _zero_shared():
        def _zr(j, _):
            for u in range(8):
                zrow[0, pl.ds(j * 128 + u * 16, 16)] = z16
            return 0

        lax.fori_loop(0, _CP // 128, _zr, 0)
        pltpu.sync_copy(zrow, sh_pp)
        pltpu.sync_copy(zrow, sh_tp)

    lane_base = lax.iota(jnp.int32, 16) * _CP
    ones = jnp.ones((16,), jnp.float32)

    def _scat(j, _):
        for u in range(8):
            g = j * 8 + u
            p = pred_v[g // 8, pl.ds((g % 8) * 16, 16)]
            l = lab_v[pl.ds(g * 16, 16)]
            corr = jnp.where(p == l, 1.0, 0.0).astype(jnp.float32)
            addr = lane_base + p
            plsc.addupdate_scatter(hpp, [addr], ones)
            plsc.addupdate_scatter(htp, [addr], corr)
        return 0

    lax.fori_loop(0, _PER_TILE // 16 // 8, _scat, 0)

    def _lred(k, _):
        app = z16
        atp = z16
        for l in range(16):
            app = app + hpp[pl.ds(l * _CP + k * 16, 16)]
            atp = atp + htp[pl.ds(l * _CP + k * 16, 16)]
        part_pp[0, pl.ds(k * 16, 16)] = app
        part_tp[0, pl.ds(k * 16, 16)] = atp
        return 0

    lax.fori_loop(0, _CP // 16, _lred, 0)

    plsc.subcore_barrier()

    pltpu.sync_copy(part_pp, sh_pp.at[row0], add=True)
    pltpu.sync_copy(part_tp, sh_tp.at[row0], add=True)

    plsc.subcore_barrier()

    @pl.when(jnp.logical_and(cid == 0, sid == 0))
    def _fini():
        pltpu.sync_copy(sh_pp, app2)
        pltpu.sync_copy(sh_tp, atp2)

        def _prec(k, psum):
            pp = app2[0, pl.ds(k * 16, 16)]
            tp = atp2[0, pl.ds(k * 16, 16)]
            safe = jnp.where(pp > 0, pp, 1.0)
            return psum + jnp.where(pp > 0, tp / safe, 0.0)

        psum = lax.fori_loop(0, _CP // 16, _prec, z16)
        total = jnp.sum(psum)
        ov[...] = jnp.full((16,), total, jnp.float32) * jnp.float32(1.0 / _C)
        pltpu.sync_copy(ov, out_hbm)


@functools.partial(
    pl.kernel,
    out_type=jax.ShapeDtypeStruct((16,), jnp.float32),
    mesh=plsc.VectorSubcoreMesh(core_axis_name="c", subcore_axis_name="s"),
    compiler_params=pltpu.CompilerParams(needs_layout_passes=False),
    scratch_types=[
        pltpu.VMEM((_PR, 128), jnp.int32),
        pltpu.VMEM((_PER_TILE,), jnp.int32),
        pltpu.VMEM((16 * _CP,), jnp.float32),
        pltpu.VMEM((16 * _CP,), jnp.float32),
        pltpu.VMEM((1, _CP), jnp.float32),
        pltpu.VMEM((1, _CP), jnp.float32),
        pltpu.VMEM((1, _CP), jnp.float32),
        pltpu.VMEM((1, _CP), jnp.float32),
        pltpu.VMEM((1, _CP), jnp.float32),
        pltpu.VMEM((16,), jnp.float32),
        pltpu.VMEM((1,), jnp.int32),
        pltpu.VMEM_SHARED((1, _CP), jnp.float32),
        pltpu.VMEM_SHARED((1, _CP), jnp.float32),
    ],
)
def _sc_hist(pred_hbm, lab_hbm, zi_hbm, out_hbm, *scratch):
    _sc_hist_body(pred_hbm, lab_hbm, zi_hbm, out_hbm, *scratch)


def kernel(logits, labels):
    pred2d = pl.pallas_call(
        _argmax_body,
        grid=(_GRID,),
        in_specs=[pl.BlockSpec((_BM, _C), lambda i: (i, 0))],
        out_specs=pl.BlockSpec((_BM // 128, 128), lambda i: (i, 0)),
        out_shape=jax.ShapeDtypeStruct((_B // 128, 128), jnp.int32),
    )(logits)
    out16 = _sc_hist(pred2d, labels, jnp.zeros((1,), jnp.int32))
    return out16[0].reshape(())

# --- scband reference (transcript-rebuilt; emitter-appended) ---
"""Pipeline reference for scband-multi-precision-21294447853981 (READ-ONLY COPY).

The authoritative reference and input builder live on the scoring server;
editing this copy changes nothing except your own understanding.
"""

import jax, jax.numpy as jnp
import numpy as np

NUM_CLASSES = 1000
BATCH = 16384

def setup_inputs(seed: int = 0) -> dict:
    key = jax.random.key(seed)
    k1, k2 = jax.random.split(key)
    logits = jax.random.normal(k1, (BATCH, NUM_CLASSES), dtype=jnp.float32)
    labels = jax.random.randint(k2, (BATCH,), 0, NUM_CLASSES).astype(jnp.int32)
    return {"logits": logits, "labels": labels}

def reference(logits, labels):
    # MultiPrecision.forward with average='macro':
    # precision(pred=softmax(logits), target=labels, num_classes, reduction='elementwise_mean')
    probs = jax.nn.softmax(logits, axis=1)
    # stat_scores_multiple_classes: pred.ndim == target.ndim + 1 -> argmax over class dim
    pred = jnp.argmax(probs, axis=1)
    C = NUM_CLASSES
    # per-class true positives and predicted positives via scatter-add (histogram/bincount)
    tp = jnp.zeros((C,), dtype=jnp.float32).at[pred].add((pred == labels).astype(jnp.float32))
    pred_pos = jnp.zeros((C,), dtype=jnp.float32).at[pred].add(jnp.ones((pred.shape[0],), dtype=jnp.float32))
    # precision = tps / (tps + fps); 0/0 -> nan -> set to 0 (as in pl.metrics precision)
    denom_safe = jnp.where(pred_pos > 0, pred_pos, 1.0)
    prec = jnp.where(pred_pos > 0, tp / denom_safe, 0.0)
    # reduction='elementwise_mean' (macro average)
    return jnp.mean(prec)

if __name__ == "__main__":
    import jax
    _d = setup_inputs()
    print(jax.jit(kernel)(*tuple(_d.values())))

</pallas_src>

<mosaic_0001>
#map = affine_map<(d0, d1) -> (0, 0)>
#map1 = affine_map<(d0, d1) -> (0)>
module attributes {stable_mosaic.version = 14 : i64} {
  func.func @_sc_hist(%arg0: i32, %arg1: i32, %arg2: memref<128x128xi32, #tpu.memory_space<hbm>>, %arg3: memref<16384xi32, #tpu.memory_space<hbm>>, %arg4: memref<1xi32, #tpu.memory_space<hbm>>, %arg5: memref<16xf32, #tpu.memory_space<hbm>>, %arg6: memref<8x128xi32, #tpu.memory_space<vmem>>, %arg7: memref<1024xi32, #tpu.memory_space<vmem>>, %arg8: memref<16384xf32, #tpu.memory_space<vmem>>, %arg9: memref<16384xf32, #tpu.memory_space<vmem>>, %arg10: memref<1x1024xf32, #tpu.memory_space<vmem>>, %arg11: memref<1x1024xf32, #tpu.memory_space<vmem>>, %arg12: memref<1x1024xf32, #tpu.memory_space<vmem>>, %arg13: memref<1x1024xf32, #tpu.memory_space<vmem>>, %arg14: memref<1x1024xf32, #tpu.memory_space<vmem>>, %arg15: memref<16xf32, #tpu.memory_space<vmem>>, %arg16: memref<1xi32, #tpu.memory_space<vmem>>, %arg17: memref<1x1024xf32, #tpu.memory_space<vmem_shared>>, %arg18: memref<1x1024xf32, #tpu.memory_space<vmem_shared>>) attributes {dimension_semantics = [#tpu.dimension_semantics<core_parallel>, #tpu.dimension_semantics<subcore_parallel>], iteration_bounds = array<i64: 2, 16>, scalar_prefetch = 0 : i64, scratch_operands = 13 : i64, tpu.core_type = #tpu.core_type<sc_vector_subcore>, window_params = [{transform_indices = #map}, {transform_indices = #map1}, {transform_indices = #map1}, {transform_indices = #map1}]} {
    "tpu.region"() ({
      %run_scoped3A = tpu.sem_alloc : memref<!tpu.dma_semaphore, #tpu.memory_space<semaphore_mem>>
      tpu.enqueue_dma source(%arg4 : memref<1xi32, #tpu.memory_space<hbm>>) target(%arg16 : memref<1xi32, #tpu.memory_space<vmem>>) target_semaphore(%run_scoped3A : memref<!tpu.dma_semaphore, #tpu.memory_space<semaphore_mem>>)
      tpu.wait_dma2 semaphore(%run_scoped3A : memref<!tpu.dma_semaphore, #tpu.memory_space<semaphore_mem>>) src(%arg4 : memref<1xi32, #tpu.memory_space<hbm>>) dst(%arg16 : memref<1xi32, #tpu.memory_space<vmem>>)
      tpu.yield
    }) : () -> ()
    %mul3A = arith.constant 8 : i32
    %mul3A_0 = arith.muli %arg1, %mul3A : i32
    "tpu.region"() ({
      %run_scoped3A = tpu.sem_alloc : memref<!tpu.dma_semaphore, #tpu.memory_space<semaphore_mem>>
      %dma_start3A = arith.constant 0 : i32
      %dma_start3A_39 = tpu.memref_slice %arg2[%mul3A_0, %dma_start3A] : memref<128x128xi32, #tpu.memory_space<hbm>> -> memref<8x128xi32, #tpu.memory_space<hbm>>
      %dma_start3A_40 = arith.constant 0 : i32
      %dma_start3A_41 = tpu.memref_slice %arg2[%mul3A_0, %dma_start3A_40] : memref<128x128xi32, #tpu.memory_space<hbm>> -> memref<8x128xi32, #tpu.memory_space<hbm>>
      tpu.enqueue_dma source(%dma_start3A_41 : memref<8x128xi32, #tpu.memory_space<hbm>>) target(%arg6 : memref<8x128xi32, #tpu.memory_space<vmem>>) target_semaphore(%run_scoped3A : memref<!tpu.dma_semaphore, #tpu.memory_space<semaphore_mem>>)
      %dma_wait3A = arith.constant 0 : i32
      %dma_wait3A_42 = tpu.memref_slice %arg2[%mul3A_0, %dma_wait3A] : memref<128x128xi32, #tpu.memory_space<hbm>> -> memref<8x128xi32, #tpu.memory_space<hbm>>
      %dma_wait3A_43 = arith.constant 0 : i32
      %dma_wait3A_44 = tpu.memref_slice %arg2[%mul3A_0, %dma_wait3A_43] : memref<128x128xi32, #tpu.memory_space<hbm>> -> memref<8x128xi32, #tpu.memory_space<hbm>>
      tpu.wait_dma2 semaphore(%run_scoped3A : memref<!tpu.dma_semaphore, #tpu.memory_space<semaphore_mem>>) src(%dma_wait3A_44 : memref<8x128xi32, #tpu.memory_space<hbm>>) dst(%arg6 : memref<8x128xi32, #tpu.memory_space<vmem>>)
      tpu.yield
    }) : () -> ()
    %mul3A_1 = arith.constant 1024 : i32
    %mul3A_2 = arith.muli %arg1, %mul3A_1 : i32
    "tpu.region"() ({
      %run_scoped3A = tpu.sem_alloc : memref<!tpu.dma_semaphore, #tpu.memory_space<semaphore_mem>>
      %dma_start3A = tpu.memref_slice %arg3[%mul3A_2] : memref<16384xi32, #tpu.memory_space<hbm>> -> memref<1024xi32, #tpu.memory_space<hbm>>
      %dma_start3A_39 = tpu.memref_slice %arg3[%mul3A_2] : memref<16384xi32, #tpu.memory_space<hbm>> -> memref<1024xi32, #tpu.memory_space<hbm>>
      tpu.enqueue_dma source(%dma_start3A_39 : memref<1024xi32, #tpu.memory_space<hbm>>) target(%arg7 : memref<1024xi32, #tpu.memory_space<vmem>>) target_semaphore(%run_scoped3A : memref<!tpu.dma_semaphore, #tpu.memory_space<semaphore_mem>>)
      %dma_wait3A = tpu.memref_slice %arg3[%mul3A_2] : memref<16384xi32, #tpu.memory_space<hbm>> -> memref<1024xi32, #tpu.memory_space<hbm>>
      %dma_wait3A_40 = tpu.memref_slice %arg3[%mul3A_2] : memref<16384xi32, #tpu.memory_space<hbm>> -> memref<1024xi32, #tpu.memory_space<hbm>>
      tpu.wait_dma2 semaphore(%run_scoped3A : memref<!tpu.dma_semaphore, #tpu.memory_space<semaphore_mem>>) src(%dma_wait3A_40 : memref<1024xi32, #tpu.memory_space<hbm>>) dst(%arg7 : memref<1024xi32, #tpu.memory_space<vmem>>)
      tpu.yield
    }) : () -> ()
    %broadcast_in_dim3A = arith.constant 0.000000e+00 : f32
    %broadcast_in_dim3A_3 = vector.broadcast %broadcast_in_dim3A : f32 to vector<16xf32>
    %scan3A = arith.constant 0 : i32
    %scan3A_4 = arith.constant 0 : i32
    %scan3A_5 = arith.constant 64 : i32
    %scan3A_6 = arith.addi %scan3A_4, %scan3A_5 : i32
    %scan3A_7 = arith.constant 1 : i32
    %scan3A_8 = scf.for %scan3A_39 = %scan3A_4 to %scan3A_6 step %scan3A_7 iter_args(%scan3A_40 = %scan3A) -> (i32)  : i32 {
      %mul3A_41 = arith.constant 256 : i32
      %mul3A_42 = arith.muli %scan3A_39, %mul3A_41 : i32
      %add3A = arith.constant 0 : i32
      %add3A_43 = arith.addi %mul3A_42, %add3A : i32
      %swap3A = arith.index_cast %add3A_43 : i32 to index
      %swap3A_44 = tpu.vector_load %arg8[%swap3A] {strides = array<i32>} : memref<16384xf32, #tpu.memory_space<vmem>>, vector<16xf32>,
      tpu.vector_store %arg8[%swap3A], %broadcast_in_dim3A_3 {strides = array<i32>} : memref<16384xf32, #tpu.memory_space<vmem>>, vector<16xf32>,
      %mul3A_45 = arith.constant 256 : i32
      %mul3A_46 = arith.muli %scan3A_39, %mul3A_45 : i32
      %add3A_47 = arith.constant 0 : i32
      %add3A_48 = arith.addi %mul3A_46, %add3A_47 : i32
      %swap3A_49 = arith.index_cast %add3A_48 : i32 to index
      %swap3A_50 = tpu.vector_load %arg9[%swap3A_49] {strides = array<i32>} : memref<16384xf32, #tpu.memory_space<vmem>>, vector<16xf32>,
      tpu.vector_store %arg9[%swap3A_49], %broadcast_in_dim3A_3 {strides = array<i32>} : memref<16384xf32, #tpu.memory_space<vmem>>, vector<16xf32>,
      %mul3A_51 = arith.constant 256 : i32
      %mul3A_52 = arith.muli %scan3A_39, %mul3A_51 : i32
      %add3A_53 = arith.constant 16 : i32
      %add3A_54 = arith.addi %mul3A_52, %add3A_53 : i32
      %swap3A_55 = arith.index_cast %add3A_54 : i32 to index
      %swap3A_56 = tpu.vector_load %arg8[%swap3A_55] {strides = array<i32>} : memref<16384xf32, #tpu.memory_space<vmem>>, vector<16xf32>,
      tpu.vector_store %arg8[%swap3A_55], %broadcast_in_dim3A_3 {strides = array<i32>} : memref<16384xf32, #tpu.memory_space<vmem>>, vector<16xf32>,
      %mul3A_57 = arith.constant 256 : i32
      %mul3A_58 = arith.muli %scan3A_39, %mul3A_57 : i32
      %add3A_59 = arith.constant 16 : i32
      %add3A_60 = arith.addi %mul3A_58, %add3A_59 : i32
      %swap3A_61 = arith.index_cast %add3A_60 : i32 to index
      %swap3A_62 = tpu.vector_load %arg9[%swap3A_61] {strides = array<i32>} : memref<16384xf32, #tpu.memory_space<vmem>>, vector<16xf32>,
      tpu.vector_store %arg9[%swap3A_61], %broadcast_in_dim3A_3 {strides = array<i32>} : memref<16384xf32, #tpu.memory_space<vmem>>, vector<16xf32>,
      %mul3A_63 = arith.constant 256 : i32
      %mul3A_64 = arith.muli %scan3A_39, %mul3A_63 : i32
      %add3A_65 = arith.constant 32 : i32
      %add3A_66 = arith.addi %mul3A_64, %add3A_65 : i32
      %swap3A_67 = arith.index_cast %add3A_66 : i32 to index
      %swap3A_68 = tpu.vector_load %arg8[%swap3A_67] {strides = array<i32>} : memref<16384xf32, #tpu.memory_space<vmem>>, vector<16xf32>,
      tpu.vector_store %arg8[%swap3A_67], %broadcast_in_dim3A_3 {strides = array<i32>} : memref<16384xf32, #tpu.memory_space<vmem>>, vector<16xf32>,
      %mul3A_69 = arith.constant 256 : i32
      %mul3A_70 = arith.muli %scan3A_39, %mul3A_69 : i32
      %add3A_71 = arith.constant 32 : i32
      %add3A_72 = arith.addi %mul3A_70, %add3A_71 : i32
      %swap3A_73 = arith.index_cast %add3A_72 : i32 to index
      %swap3A_74 = tpu.vector_load %arg9[%swap3A_73] {strides = array<i32>} : memref<16384xf32, #tpu.memory_space<vmem>>, vector<16xf32>,
      tpu.vector_store %arg9[%swap3A_73], %broadcast_in_dim3A_3 {strides = array<i32>} : memref<16384xf32, #tpu.memory_space<vmem>>, vector<16xf32>,
      %mul3A_75 = arith.constant 256 : i32
      %mul3A_76 = arith.muli %scan3A_39, %mul3A_75 : i32
      %add3A_77 = arith.constant 48 : i32
      %add3A_78 = arith.addi %mul3A_76, %add3A_77 : i32
      %swap3A_79 = arith.index_cast %add3A_78 : i32 to index
      %swap3A_80 = tpu.vector_load %arg8[%swap3A_79] {strides = array<i32>} : memref<16384xf32, #tpu.memory_space<vmem>>, vector<16xf32>,
      tpu.vector_store %arg8[%swap3A_79], %broadcast_in_dim3A_3 {strides = array<i32>} : memref<16384xf32, #tpu.memory_space<vmem>>, vector<16xf32>,
      %mul3A_81 = arith.constant 256 : i32
      %mul3A_82 = arith.muli %scan3A_39, %mul3A_81 : i32
      %add3A_83 = arith.constant 48 : i32
      %add3A_84 = arith.addi %mul3A_82, %add3A_83 : i32
      %swap3A_85 = arith.index_cast %add3A_84 : i32 to index
      %swap3A_86 = tpu.vector_load %arg9[%swap3A_85] {strides = array<i32>} : memref<16384xf32, #tpu.memory_space<vmem>>, vector<16xf32>,
      tpu.vector_store %arg9[%swap3A_85], %broadcast_in_dim3A_3 {strides = array<i32>} : memref<16384xf32, #tpu.memory_space<vmem>>, vector<16xf32>,
      %mul3A_87 = arith.constant 256 : i32
      %mul3A_88 = arith.muli %scan3A_39, %mul3A_87 : i32
      %add3A_89 = arith.constant 64 : i32
      %add3A_90 = arith.addi %mul3A_88, %add3A_89 : i32
      %swap3A_91 = arith.index_cast %add3A_90 : i32 to index
      %swap3A_92 = tpu.vector_load %arg8[%swap3A_91] {strides = array<i32>} : memref<16384xf32, #tpu.memory_space<vmem>>, vector<16xf32>,
      tpu.vector_store %arg8[%swap3A_91], %broadcast_in_dim3A_3 {strides = array<i32>} : memref<16384xf32, #tpu.memory_space<vmem>>, vector<16xf32>,
      %mul3A_93 = arith.constant 256 : i32
      %mul3A_94 = arith.muli %scan3A_39, %mul3A_93 : i32
      %add3A_95 = arith.constant 64 : i32
      %add3A_96 = arith.addi %mul3A_94, %add3A_95 : i32
      %swap3A_97 = arith.index_cast %add3A_96 : i32 to index
      %swap3A_98 = tpu.vector_load %arg9[%swap3A_97] {strides = array<i32>} : memref<16384xf32, #tpu.memory_space<vmem>>, vector<16xf32>,
      tpu.vector_store %arg9[%swap3A_97], %broadcast_in_dim3A_3 {strides = array<i32>} : memref<16384xf32, #tpu.memory_space<vmem>>, vector<16xf32>,
      %mul3A_99 = arith.constant 256 : i32
      %mul3A_100 = arith.muli %scan3A_39, %mul3A_99 : i32
      %add3A_101 = arith.constant 80 : i32
      %add3A_102 = arith.addi %mul3A_100, %add3A_101 : i32
      %swap3A_103 = arith.index_cast %add3A_102 : i32 to index
      %swap3A_104 = tpu.vector_load %arg8[%swap3A_103] {strides = array<i32>} : memref<16384xf32, #tpu.memory_space<vmem>>, vector<16xf32>,
      tpu.vector_store %arg8[%swap3A_103], %broadcast_in_dim3A_3 {strides = array<i32>} : memref<16384xf32, #tpu.memory_space<vmem>>, vector<16xf32>,
      %mul3A_105 = arith.constant 256 : i32
      %mul3A_106 = arith.muli %scan3A_39, %mul3A_105 : i32
      %add3A_107 = arith.constant 80 : i32
      %add3A_108 = arith.addi %mul3A_106, %add3A_107 : i32
      %swap3A_109 = arith.index_cast %add3A_108 : i32 to index
      %swap3A_110 = tpu.vector_load %arg9[%swap3A_109] {strides = array<i32>} : memref<16384xf32, #tpu.memory_space<vmem>>, vector<16xf32>,
      tpu.vector_store %arg9[%swap3A_109], %broadcast_in_dim3A_3 {strides = array<i32>} : memref<16384xf32, #tpu.memory_space<vmem>>, vector<16xf32>,
      %mul3A_111 = arith.constant 256 : i32
      %mul3A_112 = arith.muli %scan3A_39, %mul3A_111 : i32
      %add3A_113 = arith.constant 96 : i32
      %add3A_114 = arith.addi %mul3A_112, %add3A_113 : i32
      %swap3A_115 = arith.index_cast %add3A_114 : i32 to index
      %swap3A_116 = tpu.vector_load %arg8[%swap3A_115] {strides = array<i32>} : memref<16384xf32, #tpu.memory_space<vmem>>, vector<16xf32>,
      tpu.vector_store %arg8[%swap3A_115], %broadcast_in_dim3A_3 {strides = array<i32>} : memref<16384xf32, #tpu.memory_space<vmem>>, vector<16xf32>,
      %mul3A_117 = arith.constant 256 : i32
      %mul3A_118 = arith.muli %scan3A_39, %mul3A_117 : i32
      %add3A_119 = arith.constant 96 : i32
      %add3A_120 = arith.addi %mul3A_118, %add3A_119 : i32
      %swap3A_121 = arith.index_cast %add3A_120 : i32 to index
      %swap3A_122 = tpu.vector_load %arg9[%swap3A_121] {strides = array<i32>} : memref<16384xf32, #tpu.memory_space<vmem>>, vector<16xf32>,
      tpu.vector_store %arg9[%swap3A_121], %broadcast_in_dim3A_3 {strides = array<i32>} : memref<16384xf32, #tpu.memory_space<vmem>>, vector<16xf32>,
      %mul3A_123 = arith.constant 256 : i32
      %mul3A_124 = arith.muli %scan3A_39, %mul3A_123 : i32
      %add3A_125 = arith.constant 112 : i32
      %add3A_126 = arith.addi %mul3A_124, %add3A_125 : i32
      %swap3A_127 = arith.index_cast %add3A_126 : i32 to index
      %swap3A_128 = tpu.vector_load %arg8[%swap3A_127] {strides = array<i32>} : memref<16384xf32, #tpu.memory_space<vmem>>, vector<16xf32>,
      tpu.vector_store %arg8[%swap3A_127], %broadcast_in_dim3A_3 {strides = array<i32>} : memref<16384xf32, #tpu.memory_space<vmem>>, vector<16xf32>,
      %mul3A_129 = arith.constant 256 : i32
      %mul3A_130 = arith.muli %scan3A_39, %mul3A_129 : i32
      %add3A_131 = arith.constant 112 : i32
      %add3A_132 = arith.addi %mul3A_130, %add3A_131 : i32
      %swap3A_133 = arith.index_cast %add3A_132 : i32 to index
      %swap3A_134 = tpu.vector_load %arg9[%swap3A_133] {strides = array<i32>} : memref<16384xf32, #tpu.memory_space<vmem>>, vector<16xf32>,
      tpu.vector_store %arg9[%swap3A_133], %broadcast_in_dim3A_3 {strides = array<i32>} : memref<16384xf32, #tpu.memory_space<vmem>>, vector<16xf32>,
      %mul3A_135 = arith.constant 256 : i32
      %mul3A_136 = arith.muli %scan3A_39, %mul3A_135 : i32
      %add3A_137 = arith.constant 128 : i32
      %add3A_138 = arith.addi %mul3A_136, %add3A_137 : i32
      %swap3A_139 = arith.index_cast %add3A_138 : i32 to index
      %swap3A_140 = tpu.vector_load %arg8[%swap3A_139] {strides = array<i32>} : memref<16384xf32, #tpu.memory_space<vmem>>, vector<16xf32>,
      tpu.vector_store %arg8[%swap3A_139], %broadcast_in_dim3A_3 {strides = array<i32>} : memref<16384xf32, #tpu.memory_space<vmem>>, vector<16xf32>,
      %mul3A_141 = arith.constant 256 : i32
      %mul3A_142 = arith.muli %scan3A_39, %mul3A_141 : i32
      %add3A_143 = arith.constant 128 : i32
      %add3A_144 = arith.addi %mul3A_142, %add3A_143 : i32
      %swap3A_145 = arith.index_cast %add3A_144 : i32 to index
      %swap3A_146 = tpu.vector_load %arg9[%swap3A_145] {strides = array<i32>} : memref<16384xf32, #tpu.memory_space<vmem>>, vector<16xf32>,
      tpu.vector_store %arg9[%swap3A_145], %broadcast_in_dim3A_3 {strides = array<i32>} : memref<16384xf32, #tpu.memory_space<vmem>>, vector<16xf32>,
      %mul3A_147 = arith.constant 256 : i32
      %mul3A_148 = arith.muli %scan3A_39, %mul3A_147 : i32
      %add3A_149 = arith.constant 144 : i32
      %add3A_150 = arith.addi %mul3A_148, %add3A_149 : i32
      %swap3A_151 = arith.index_cast %add3A_150 : i32 to index
      %swap3A_152 = tpu.vector_load %arg8[%swap3A_151] {strides = array<i32>} : memref<16384xf32, #tpu.memory_space<vmem>>, vector<16xf32>,
      tpu.vector_store %arg8[%swap3A_151], %broadcast_in_dim3A_3 {strides = array<i32>} : memref<16384xf32, #tpu.memory_space<vmem>>, vector<16xf32>,
      %mul3A_153 = arith.constant 256 : i32
      %mul3A_154 = arith.muli %scan3A_39, %mul3A_153 : i32
      %add3A_155 = arith.constant 144 : i32
      %add3A_156 = arith.addi %mul3A_154, %add3A_155 : i32
      %swap3A_157 = arith.index_cast %add3A_156 : i32 to index
      %swap3A_158 = tpu.vector_load %arg9[%swap3A_157] {strides = array<i32>} : memref<16384xf32, #tpu.memory_space<vmem>>, vector<16xf32>,
      tpu.vector_store %arg9[%swap3A_157], %broadcast_in_dim3A_3 {strides = array<i32>} : memref<16384xf32, #tpu.memory_space<vmem>>, vector<16xf32>,
      %mul3A_159 = arith.constant 256 : i32
      %mul3A_160 = arith.muli %scan3A_39, %mul3A_159 : i32
      %add3A_161 = arith.constant 160 : i32
      %add3A_162 = arith.addi %mul3A_160, %add3A_161 : i32
      %swap3A_163 = arith.index_cast %add3A_162 : i32 to index
      %swap3A_164 = tpu.vector_load %arg8[%swap3A_163] {strides = array<i32>} : memref<16384xf32, #tpu.memory_space<vmem>>, vector<16xf32>,
      tpu.vector_store %arg8[%swap3A_163], %broadcast_in_dim3A_3 {strides = array<i32>} : memref<16384xf32, #tpu.memory_space<vmem>>, vector<16xf32>,
      %mul3A_165 = arith.constant 256 : i32
      %mul3A_166 = arith.muli %scan3A_39, %mul3A_165 : i32
      %add3A_167 = arith.constant 160 : i32
      %add3A_168 = arith.addi %mul3A_166, %add3A_167 : i32
      %swap3A_169 = arith.index_cast %add3A_168 : i32 to index
      %swap3A_170 = tpu.vector_load %arg9[%swap3A_169] {strides = array<i32>} : memref<16384xf32, #tpu.memory_space<vmem>>, vector<16xf32>,
      tpu.vector_store %arg9[%swap3A_169], %broadcast_in_dim3A_3 {strides = array<i32>} : memref<16384xf32, #tpu.memory_space<vmem>>, vector<16xf32>,
      %mul3A_171 = arith.constant 256 : i32
      %mul3A_172 = arith.muli %scan3A_39, %mul3A_171 : i32
      %add3A_173 = arith.constant 176 : i32
      %add3A_174 = arith.addi %mul3A_172, %add3A_173 : i32
      %swap3A_175 = arith.index_cast %add3A_174 : i32 to index
      %swap3A_176 = tpu.vector_load %arg8[%swap3A_175] {strides = array<i32>} : memref<16384xf32, #tpu.memory_space<vmem>>, vector<16xf32>,
      tpu.vector_store %arg8[%swap3A_175], %broadcast_in_dim3A_3 {strides = array<i32>} : memref<16384xf32, #tpu.memory_space<vmem>>, vector<16xf32>,
      %mul3A_177 = arith.constant 256 : i32
      %mul3A_178 = arith.muli %scan3A_39, %mul3A_177 : i32
      %add3A_179 = arith.constant 176 : i32
      %add3A_180 = arith.addi %mul3A_178, %add3A_179 : i32
      %swap3A_181 = arith.index_cast %add3A_180 : i32 to index
      %swap3A_182 = tpu.vector_load %arg9[%swap3A_181] {strides = array<i32>} : memref<16384xf32, #tpu.memory_space<vmem>>, vector<16xf32>,
      tpu.vector_store %arg9[%swap3A_181], %broadcast_in_dim3A_3 {strides = array<i32>} : memref<16384xf32, #tpu.memory_space<vmem>>, vector<16xf32>,
      %mul3A_183 = arith.constant 256 : i32
      %mul3A_184 = arith.muli %scan3A_39, %mul3A_183 : i32
      %add3A_185 = arith.constant 192 : i32
      %add3A_186 = arith.addi %mul3A_184, %add3A_185 : i32
      %swap3A_187 = arith.index_cast %add3A_186 : i32 to index
      %swap3A_188 = tpu.vector_load %arg8[%swap3A_187] {strides = array<i32>} : memref<16384xf32, #tpu.memory_space<vmem>>, vector<16xf32>,
      tpu.vector_store %arg8[%swap3A_187], %broadcast_in_dim3A_3 {strides = array<i32>} : memref<16384xf32, #tpu.memory_space<vmem>>, vector<16xf32>,
      %mul3A_189 = arith.constant 256 : i32
      %mul3A_190 = arith.muli %scan3A_39, %mul3A_189 : i32
      %add3A_191 = arith.constant 192 : i32
      %add3A_192 = arith.addi %mul3A_190, %add3A_191 : i32
      %swap3A_193 = arith.index_cast %add3A_192 : i32 to index
      %swap3A_194 = tpu.vector_load %arg9[%swap3A_193] {strides = array<i32>} : memref<16384xf32, #tpu.memory_space<vmem>>, vector<16xf32>,
      tpu.vector_store %arg9[%swap3A_193], %broadcast_in_dim3A_3 {strides = array<i32>} : memref<16384xf32, #tpu.memory_space<vmem>>, vector<16xf32>,
      %mul3A_195 = arith.constant 256 : i32
      %mul3A_196 = arith.muli %scan3A_39, %mul3A_195 : i32
      %add3A_197 = arith.constant 208 : i32
      %add3A_198 = arith.addi %mul3A_196, %add3A_197 : i32
      %swap3A_199 = arith.index_cast %add3A_198 : i32 to index
      %swap3A_200 = tpu.vector_load %arg8[%swap3A_199] {strides = array<i32>} : memref<16384xf32, #tpu.memory_space<vmem>>, vector<16xf32>,
      tpu.vector_store %arg8[%swap3A_199], %broadcast_in_dim3A_3 {strides = array<i32>} : memref<16384xf32, #tpu.memory_space<vmem>>, vector<16xf32>,
      %mul3A_201 = arith.constant 256 : i32
      %mul3A_202 = arith.muli %scan3A_39, %mul3A_201 : i32
      %add3A_203 = arith.constant 208 : i32
      %add3A_204 = arith.addi %mul3A_202, %add3A_203 : i32
      %swap3A_205 = arith.index_cast %add3A_204 : i32 to index
      %swap3A_206 = tpu.vector_load %arg9[%swap3A_205] {strides = array<i32>} : memref<16384xf32, #tpu.memory_space<vmem>>, vector<16xf32>,
      tpu.vector_store %arg9[%swap3A_205], %broadcast_in_dim3A_3 {strides = array<i32>} : memref<16384xf32, #tpu.memory_space<vmem>>, vector<16xf32>,
      %mul3A_207 = arith.constant 256 : i32
      %mul3A_208 = arith.muli %scan3A_39, %mul3A_207 : i32
      %add3A_209 = arith.constant 224 : i32
      %add3A_210 = arith.addi %mul3A_208, %add3A_209 : i32
      %swap3A_211 = arith.index_cast %add3A_210 : i32 to index
      %swap3A_212 = tpu.vector_load %arg8[%swap3A_211] {strides = array<i32>} : memref<16384xf32, #tpu.memory_space<vmem>>, vector<16xf32>,
      tpu.vector_store %arg8[%swap3A_211], %broadcast_in_dim3A_3 {strides = array<i32>} : memref<16384xf32, #tpu.memory_space<vmem>>, vector<16xf32>,
      %mul3A_213 = arith.constant 256 : i32
      %mul3A_214 = arith.muli %scan3A_39, %mul3A_213 : i32
      %add3A_215 = arith.constant 224 : i32
      %add3A_216 = arith.addi %mul3A_214, %add3A_215 : i32
      %swap3A_217 = arith.index_cast %add3A_216 : i32 to index
      %swap3A_218 = tpu.vector_load %arg9[%swap3A_217] {strides = array<i32>} : memref<16384xf32, #tpu.memory_space<vmem>>, vector<16xf32>,
      tpu.vector_store %arg9[%swap3A_217], %broadcast_in_dim3A_3 {strides = array<i32>} : memref<16384xf32, #tpu.memory_space<vmem>>, vector<16xf32>,
      %mul3A_219 = arith.constant 256 : i32
      %mul3A_220 = arith.muli %scan3A_39, %mul3A_219 : i32
      %add3A_221 = arith.constant 240 : i32
      %add3A_222 = arith.addi %mul3A_220, %add3A_221 : i32
      %swap3A_223 = arith.index_cast %add3A_222 : i32 to index
      %swap3A_224 = tpu.vector_load %arg8[%swap3A_223] {strides = array<i32>} : memref<16384xf32, #tpu.memory_space<vmem>>, vector<16xf32>,
      tpu.vector_store %arg8[%swap3A_223], %broadcast_in_dim3A_3 {strides = array<i32>} : memref<16384xf32, #tpu.memory_space<vmem>>, vector<16xf32>,
      %mul3A_225 = arith.constant 256 : i32
      %mul3A_226 = arith.muli %scan3A_39, %mul3A_225 : i32
      %add3A_227 = arith.constant 240 : i32
      %add3A_228 = arith.addi %mul3A_226, %add3A_227 : i32
      %swap3A_229 = arith.index_cast %add3A_228 : i32 to index
      %swap3A_230 = tpu.vector_load %arg9[%swap3A_229] {strides = array<i32>} : memref<16384xf32, #tpu.memory_space<vmem>>, vector<16xf32>,
      tpu.vector_store %arg9[%swap3A_229], %broadcast_in_dim3A_3 {strides = array<i32>} : memref<16384xf32, #tpu.memory_space<vmem>>, vector<16xf32>,
      %scan3A_231 = arith.constant 0 : i32
      scf.yield %scan3A_231 : i32
    }
    %scan3A_9 = arith.constant 64 : i32
    %eq3A = arith.constant 0 : i32
    %eq3A_10 = arith.cmpi eq, %arg1, %eq3A : i32
    %convert_element_type3A = arith.extui %eq3A_10 : i1 to i32
    %cond3A = arith.constant 0 : i32
    %cond3A_11 = arith.cmpi ne, %convert_element_type3A, %cond3A : i32
    scf.if %cond3A_11 {
      %scan3A_39 = arith.constant 0 : i32
      %scan3A_40 = arith.constant 0 : i32
      %scan3A_41 = arith.constant 8 : i32
      %scan3A_42 = arith.addi %scan3A_40, %scan3A_41 : i32
      %scan3A_43 = arith.constant 1 : i32
      %scan3A_44 = scf.for %scan3A_46 = %scan3A_40 to %scan3A_42 step %scan3A_43 iter_args(%scan3A_47 = %scan3A_39) -> (i32)  : i32 {
        %mul3A_48 = arith.constant 128 : i32
        %mul3A_49 = arith.muli %scan3A_46, %mul3A_48 : i32
        %add3A = arith.constant 0 : i32
        %add3A_50 = arith.addi %mul3A_49, %add3A : i32
        %swap3A = arith.constant 0 : i32
        %swap3A_51 = arith.index_cast %swap3A : i32 to index
        %swap3A_52 = arith.index_cast %add3A_50 : i32 to index
        %swap3A_53 = tpu.vector_load %arg12[%swap3A_51, %swap3A_52] {strides = array<i32>} : memref<1x1024xf32, #tpu.memory_space<vmem>>, vector<16xf32>,
        tpu.vector_store %arg12[%swap3A_51, %swap3A_52], %broadcast_in_dim3A_3 {strides = array<i32>} : memref<1x1024xf32, #tpu.memory_space<vmem>>, vector<16xf32>,
        %mul3A_54 = arith.constant 128 : i32
        %mul3A_55 = arith.muli %scan3A_46, %mul3A_54 : i32
        %add3A_56 = arith.constant 16 : i32
        %add3A_57 = arith.addi %mul3A_55, %add3A_56 : i32
        %swap3A_58 = arith.constant 0 : i32
        %swap3A_59 = arith.index_cast %swap3A_58 : i32 to index
        %swap3A_60 = arith.index_cast %add3A_57 : i32 to index
        %swap3A_61 = tpu.vector_load %arg12[%swap3A_59, %swap3A_60] {strides = array<i32>} : memref<1x1024xf32, #tpu.memory_space<vmem>>, vector<16xf32>,
        tpu.vector_store %arg12[%swap3A_59, %swap3A_60], %broadcast_in_dim3A_3 {strides = array<i32>} : memref<1x1024xf32, #tpu.memory_space<vmem>>, vector<16xf32>,
        %mul3A_62 = arith.constant 128 : i32
        %mul3A_63 = arith.muli %scan3A_46, %mul3A_62 : i32
        %add3A_64 = arith.constant 32 : i32
        %add3A_65 = arith.addi %mul3A_63, %add3A_64 : i32
        %swap3A_66 = arith.constant 0 : i32
        %swap3A_67 = arith.index_cast %swap3A_66 : i32 to index
        %swap3A_68 = arith.index_cast %add3A_65 : i32 to index
        %swap3A_69 = tpu.vector_load %arg12[%swap3A_67, %swap3A_68] {strides = array<i32>} : memref<1x1024xf32, #tpu.memory_space<vmem>>, vector<16xf32>,
        tpu.vector_store %arg12[%swap3A_67, %swap3A_68], %broadcast_in_dim3A_3 {strides = array<i32>} : memref<1x1024xf32, #tpu.memory_space<vmem>>, vector<16xf32>,
        %mul3A_70 = arith.constant 128 : i32
        %mul3A_71 = arith.muli %scan3A_46, %mul3A_70 : i32
        %add3A_72 = arith.constant 48 : i32
        %add3A_73 = arith.addi %mul3A_71, %add3A_72 : i32
        %swap3A_74 = arith.constant 0 : i32
        %swap3A_75 = arith.index_cast %swap3A_74 : i32 to index
        %swap3A_76 = arith.index_cast %add3A_73 : i32 to index
        %swap3A_77 = tpu.vector_load %arg12[%swap3A_75, %swap3A_76] {strides = array<i32>} : memref<1x1024xf32, #tpu.memory_space<vmem>>, vector<16xf32>,
        tpu.vector_store %arg12[%swap3A_75, %swap3A_76], %broadcast_in_dim3A_3 {strides = array<i32>} : memref<1x1024xf32, #tpu.memory_space<vmem>>, vector<16xf32>,
        %mul3A_78 = arith.constant 128 : i32
        %mul3A_79 = arith.muli %scan3A_46, %mul3A_78 : i32
        %add3A_80 = arith.constant 64 : i32
        %add3A_81 = arith.addi %mul3A_79, %add3A_80 : i32
        %swap3A_82 = arith.constant 0 : i32
        %swap3A_83 = arith.index_cast %swap3A_82 : i32 to index
        %swap3A_84 = arith.index_cast %add3A_81 : i32 to index
        %swap3A_85 = tpu.vector_load %arg12[%swap3A_83, %swap3A_84] {strides = array<i32>} : memref<1x1024xf32, #tpu.memory_space<vmem>>, vector<16xf32>,
        tpu.vector_store %arg12[%swap3A_83, %swap3A_84], %broadcast_in_dim3A_3 {strides = array<i32>} : memref<1x1024xf32, #tpu.memory_space<vmem>>, vector<16xf32>,
        %mul3A_86 = arith.constant 128 : i32
        %mul3A_87 = arith.muli %scan3A_46, %mul3A_86 : i32
        %add3A_88 = arith.constant 80 : i32
        %add3A_89 = arith.addi %mul3A_87, %add3A_88 : i32
        %swap3A_90 = arith.constant 0 : i32
        %swap3A_91 = arith.index_cast %swap3A_90 : i32 to index
        %swap3A_92 = arith.index_cast %add3A_89 : i32 to index
        %swap3A_93 = tpu.vector_load %arg12[%swap3A_91, %swap3A_92] {strides = array<i32>} : memref<1x1024xf32, #tpu.memory_space<vmem>>, vector<16xf32>,
        tpu.vector_store %arg12[%swap3A_91, %swap3A_92], %broadcast_in_dim3A_3 {strides = array<i32>} : memref<1x1024xf32, #tpu.memory_space<vmem>>, vector<16xf32>,
        %mul3A_94 = arith.constant 128 : i32
        %mul3A_95 = arith.muli %scan3A_46, %mul3A_94 : i32
        %add3A_96 = arith.constant 96 : i32
        %add3A_97 = arith.addi %mul3A_95, %add3A_96 : i32
        %swap3A_98 = arith.constant 0 : i32
        %swap3A_99 = arith.index_cast %swap3A_98 : i32 to index
        %swap3A_100 = arith.index_cast %add3A_97 : i32 to index
        %swap3A_101 = tpu.vector_load %arg12[%swap3A_99, %swap3A_100] {strides = array<i32>} : memref<1x1024xf32, #tpu.memory_space<vmem>>, vector<16xf32>,
        tpu.vector_store %arg12[%swap3A_99, %swap3A_100], %broadcast_in_dim3A_3 {strides = array<i32>} : memref<1x1024xf32, #tpu.memory_space<vmem>>, vector<16xf32>,
        %mul3A_102 = arith.constant 128 : i32
        %mul3A_103 = arith.muli %scan3A_46, %mul3A_102 : i32
        %add3A_104 = arith.constant 112 : i32
        %add3A_105 = arith.addi %mul3A_103, %add3A_104 : i32
        %swap3A_106 = arith.constant 0 : i32
        %swap3A_107 = arith.index_cast %swap3A_106 : i32 to index
        %swap3A_108 = arith.index_cast %add3A_105 : i32 to index
        %swap3A_109 = tpu.vector_load %arg12[%swap3A_107, %swap3A_108] {strides = array<i32>} : memref<1x1024xf32, #tpu.memory_space<vmem>>, vector<16xf32>,
        tpu.vector_store %arg12[%swap3A_107, %swap3A_108], %broadcast_in_dim3A_3 {strides = array<i32>} : memref<1x1024xf32, #tpu.memory_space<vmem>>, vector<16xf32>,
        %scan3A_110 = arith.constant 0 : i32
        scf.yield %scan3A_110 : i32
      }
      %scan3A_45 = arith.constant 8 : i32
      "tpu.region"() ({
        %run_scoped3A = tpu.sem_alloc : memref<!tpu.dma_semaphore, #tpu.memory_space<semaphore_mem>>
        tpu.enqueue_dma source(%arg12 : memref<1x1024xf32, #tpu.memory_space<vmem>>) target(%arg17 : memref<1x1024xf32, #tpu.memory_space<vmem_shared>>) target_semaphore(%run_scoped3A : memref<!tpu.dma_semaphore, #tpu.memory_space<semaphore_mem>>)
        tpu.wait_dma2 semaphore(%run_scoped3A : memref<!tpu.dma_semaphore, #tpu.memory_space<semaphore_mem>>) src(%arg12 : memref<1x1024xf32, #tpu.memory_space<vmem>>) dst(%arg17 : memref<1x1024xf32, #tpu.memory_space<vmem_shared>>)
        tpu.yield
      }) : () -> ()
      "tpu.region"() ({
        %run_scoped3A = tpu.sem_alloc : memref<!tpu.dma_semaphore, #tpu.memory_space<semaphore_mem>>
        tpu.enqueue_dma source(%arg12 : memref<1x1024xf32, #tpu.memory_space<vmem>>) target(%arg18 : memref<1x1024xf32, #tpu.memory_space<vmem_shared>>) target_semaphore(%run_scoped3A : memref<!tpu.dma_semaphore, #tpu.memory_space<semaphore_mem>>)
        tpu.wait_dma2 semaphore(%run_scoped3A : memref<!tpu.dma_semaphore, #tpu.memory_space<semaphore_mem>>) src(%arg12 : memref<1x1024xf32, #tpu.memory_space<vmem>>) dst(%arg18 : memref<1x1024xf32, #tpu.memory_space<vmem_shared>>)
        tpu.yield
      }) : () -> ()
    } else {
    }
    %iota3A = tpu.iota {dimensions = array<i32: 0>} : vector<16xi32>
    %mul3A_12 = arith.constant 1024 : i32
    %mul3A_13 = vector.broadcast %mul3A_12 : i32 to vector<16xi32>
    %mul3A_14 = arith.muli %iota3A, %mul3A_13 : vector<16xi32>
    %broadcast_in_dim3A_15 = arith.constant 1.000000e+00 : f32
    %broadcast_in_dim3A_16 = vector.broadcast %broadcast_in_dim3A_15 : f32 to vector<16xf32>
    %scan3A_17 = arith.constant 0 : i32
    %scan3A_18 = arith.constant 0 : i32
    %scan3A_19 = arith.constant 8 : i32
    %scan3A_20 = arith.addi %scan3A_18, %scan3A_19 : i32
    %scan3A_21 = arith.constant 1 : i32
    %scan3A_22 = scf.for %scan3A_39 = %scan3A_18 to %scan3A_20 step %scan3A_21 iter_args(%scan3A_40 = %scan3A_17) -> (i32)  : i32 {
      %mul3A_41 = arith.constant 8 : i32
      %mul3A_42 = arith.muli %scan3A_39, %mul3A_41 : i32
      %add3A = arith.constant 0 : i32
      %add3A_43 = arith.addi %mul3A_42, %add3A : i32
      %jit3A = arith.constant 8 : i32
      %div3A = arith.divsi %add3A_43, %jit3A : i32
      %sign3A = arith.constant 0 : i32
      %sign3A_44 = arith.cmpi sgt, %add3A_43, %sign3A : i32
      %sign3A_45 = arith.extui %sign3A_44 : i1 to i32
      %sign3A_46 = arith.constant 0 : i32
      %sign3A_47 = arith.cmpi slt, %add3A_43, %sign3A_46 : i32
      %sign3A_48 = arith.extui %sign3A_47 : i1 to i32
      %sign3A_49 = arith.subi %sign3A_45, %sign3A_48 : i32
      %sign3A_50 = arith.constant 0 : i32
      %sign3A_51 = arith.cmpi sgt, %jit3A, %sign3A_50 : i32
      %sign3A_52 = arith.extui %sign3A_51 : i1 to i32
      %sign3A_53 = arith.constant 0 : i32
      %sign3A_54 = arith.cmpi slt, %jit3A, %sign3A_53 : i32
      %sign3A_55 = arith.extui %sign3A_54 : i1 to i32
      %sign3A_56 = arith.subi %sign3A_52, %sign3A_55 : i32
      %ne3A = arith.cmpi ne, %sign3A_49, %sign3A_56 : i32
      %rem3A = arith.remsi %add3A_43, %jit3A : i32
      %ne3A_57 = arith.constant 0 : i32
      %ne3A_58 = arith.cmpi ne, %rem3A, %ne3A_57 : i32
      %and3A_59 = arith.andi %ne3A, %ne3A_58 : i1
      %sub3A = arith.constant 1 : i32
      %sub3A_60 = arith.subi %div3A, %sub3A : i32
      %select_n3A = arith.select %and3A_59, %sub3A_60, %div3A : i32
      %jit3A_61 = arith.constant 8 : i32
      %eq3A_62 = arith.constant 0 : i32
      %eq3A_63 = arith.cmpi eq, %jit3A_61, %eq3A_62 : i32
      %jit3A_64 = arith.constant 1 : i32
      %select_n3A_65 = arith.select %eq3A_63, %jit3A_64, %jit3A_61 : i32
      %rem3A_66 = arith.remsi %add3A_43, %select_n3A_65 : i32
      %ne3A_67 = arith.constant 0 : i32
      %ne3A_68 = arith.cmpi ne, %rem3A_66, %ne3A_67 : i32
      %lt3A = arith.constant 0 : i32
      %lt3A_69 = arith.cmpi slt, %rem3A_66, %lt3A : i32
      %lt3A_70 = arith.constant 0 : i32
      %lt3A_71 = arith.cmpi slt, %select_n3A_65, %lt3A_70 : i32
      %ne3A_72 = arith.xori %lt3A_69, %lt3A_71 : i1
      %and3A_73 = arith.andi %ne3A_72, %ne3A_68 : i1
      %add3A_74 = arith.addi %rem3A_66, %select_n3A_65 : i32
      %select_n3A_75 = arith.select %and3A_73, %add3A_74, %rem3A_66 : i32
      %mul3A_76 = arith.constant 16 : i32
      %mul3A_77 = arith.muli %select_n3A_75, %mul3A_76 : i32
      %get3A = arith.index_cast %select_n3A : i32 to index
      %get3A_78 = arith.index_cast %mul3A_77 : i32 to index
      %get3A_79 = tpu.vector_load %arg6[%get3A, %get3A_78] {strides = array<i32>} : memref<8x128xi32, #tpu.memory_space<vmem>>, vector<16xi32>,
      %mul3A_80 = arith.constant 16 : i32
      %mul3A_81 = arith.muli %add3A_43, %mul3A_80 : i32
      %get3A_82 = arith.index_cast %mul3A_81 : i32 to index
      %get3A_83 = tpu.vector_load %arg7[%get3A_82] {strides = array<i32>} : memref<1024xi32, #tpu.memory_space<vmem>>, vector<16xi32>,
      %eq3A_84 = arith.cmpi eq, %get3A_79, %get3A_83 : vector<16xi32>
      %jit3A_85 = arith.constant 1.000000e+00 : f32
      %jit3A_86 = arith.constant 0.000000e+00 : f32
      %broadcast_in_dim3A_87 = vector.broadcast %jit3A_85 : f32 to vector<16xf32>
      %broadcast_in_dim3A_88 = vector.broadcast %jit3A_86 : f32 to vector<16xf32>
      %select_n3A_89 = arith.select %eq3A_84, %broadcast_in_dim3A_87, %broadcast_in_dim3A_88 : vector<16xi1>, vector<16xf32>
      %add3A_90 = arith.addi %mul3A_14, %get3A_79 : vector<16xi32>
      tpu.vector_store_idx %arg8[%add3A_90], %broadcast_in_dim3A_16 {add = true} : memref<16384xf32, #tpu.memory_space<vmem>>[vector<16xi32>], vector<16xf32>,
      tpu.vector_store_idx %arg9[%add3A_90], %select_n3A_89 {add = true} : memref<16384xf32, #tpu.memory_space<vmem>>[vector<16xi32>], vector<16xf32>,
      %mul3A_91 = arith.constant 8 : i32
      %mul3A_92 = arith.muli %scan3A_39, %mul3A_91 : i32
      %add3A_93 = arith.constant 1 : i32
      %add3A_94 = arith.addi %mul3A_92, %add3A_93 : i32
      %jit3A_95 = arith.constant 8 : i32
      %div3A_96 = arith.divsi %add3A_94, %jit3A_95 : i32
      %sign3A_97 = arith.constant 0 : i32
      %sign3A_98 = arith.cmpi sgt, %add3A_94, %sign3A_97 : i32
      %sign3A_99 = arith.extui %sign3A_98 : i1 to i32
      %sign3A_100 = arith.constant 0 : i32
      %sign3A_101 = arith.cmpi slt, %add3A_94, %sign3A_100 : i32
      %sign3A_102 = arith.extui %sign3A_101 : i1 to i32
      %sign3A_103 = arith.subi %sign3A_99, %sign3A_102 : i32
      %sign3A_104 = arith.constant 0 : i32
      %sign3A_105 = arith.cmpi sgt, %jit3A_95, %sign3A_104 : i32
      %sign3A_106 = arith.extui %sign3A_105 : i1 to i32
      %sign3A_107 = arith.constant 0 : i32
      %sign3A_108 = arith.cmpi slt, %jit3A_95, %sign3A_107 : i32
      %sign3A_109 = arith.extui %sign3A_108 : i1 to i32
      %sign3A_110 = arith.subi %sign3A_106, %sign3A_109 : i32
      %ne3A_111 = arith.cmpi ne, %sign3A_103, %sign3A_110 : i32
      %rem3A_112 = arith.remsi %add3A_94, %jit3A_95 : i32
      %ne3A_113 = arith.constant 0 : i32
      %ne3A_114 = arith.cmpi ne, %rem3A_112, %ne3A_113 : i32
      %and3A_115 = arith.andi %ne3A_111, %ne3A_114 : i1
      %sub3A_116 = arith.constant 1 : i32
      %sub3A_117 = arith.subi %div3A_96, %sub3A_116 : i32
      %select_n3A_118 = arith.select %and3A_115, %sub3A_117, %div3A_96 : i32
      %jit3A_119 = arith.constant 8 : i32
      %eq3A_120 = arith.constant 0 : i32
      %eq3A_121 = arith.cmpi eq, %jit3A_119, %eq3A_120 : i32
      %jit3A_122 = arith.constant 1 : i32
      %select_n3A_123 = arith.select %eq3A_121, %jit3A_122, %jit3A_119 : i32
      %rem3A_124 = arith.remsi %add3A_94, %select_n3A_123 : i32
      %ne3A_125 = arith.constant 0 : i32
      %ne3A_126 = arith.cmpi ne, %rem3A_124, %ne3A_125 : i32
      %lt3A_127 = arith.constant 0 : i32
      %lt3A_128 = arith.cmpi slt, %rem3A_124, %lt3A_127 : i32
      %lt3A_129 = arith.constant 0 : i32
      %lt3A_130 = arith.cmpi slt, %select_n3A_123, %lt3A_129 : i32
      %ne3A_131 = arith.xori %lt3A_128, %lt3A_130 : i1
      %and3A_132 = arith.andi %ne3A_131, %ne3A_126 : i1
      %add3A_133 = arith.addi %rem3A_124, %select_n3A_123 : i32
      %select_n3A_134 = arith.select %and3A_132, %add3A_133, %rem3A_124 : i32
      %mul3A_135 = arith.constant 16 : i32
      %mul3A_136 = arith.muli %select_n3A_134, %mul3A_135 : i32
      %get3A_137 = arith.index_cast %select_n3A_118 : i32 to index
      %get3A_138 = arith.index_cast %mul3A_136 : i32 to index
      %get3A_139 = tpu.vector_load %arg6[%get3A_137, %get3A_138] {strides = array<i32>} : memref<8x128xi32, #tpu.memory_space<vmem>>, vector<16xi32>,
      %mul3A_140 = arith.constant 16 : i32
      %mul3A_141 = arith.muli %add3A_94, %mul3A_140 : i32
      %get3A_142 = arith.index_cast %mul3A_141 : i32 to index
      %get3A_143 = tpu.vector_load %arg7[%get3A_142] {strides = array<i32>} : memref<1024xi32, #tpu.memory_space<vmem>>, vector<16xi32>,
      %eq3A_144 = arith.cmpi eq, %get3A_139, %get3A_143 : vector<16xi32>
      %jit3A_145 = arith.constant 1.000000e+00 : f32
      %jit3A_146 = arith.constant 0.000000e+00 : f32
      %broadcast_in_dim3A_147 = vector.broadcast %jit3A_145 : f32 to vector<16xf32>
      %broadcast_in_dim3A_148 = vector.broadcast %jit3A_146 : f32 to vector<16xf32>
      %select_n3A_149 = arith.select %eq3A_144, %broadcast_in_dim3A_147, %broadcast_in_dim3A_148 : vector<16xi1>, vector<16xf32>
      %add3A_150 = arith.addi %mul3A_14, %get3A_139 : vector<16xi32>
      tpu.vector_store_idx %arg8[%add3A_150], %broadcast_in_dim3A_16 {add = true} : memref<16384xf32, #tpu.memory_space<vmem>>[vector<16xi32>], vector<16xf32>,
      tpu.vector_store_idx %arg9[%add3A_150], %select_n3A_149 {add = true} : memref<16384xf32, #tpu.memory_space<vmem>>[vector<16xi32>], vector<16xf32>,
      %mul3A_151 = arith.constant 8 : i32
      %mul3A_152 = arith.muli %scan3A_39, %mul3A_151 : i32
      %add3A_153 = arith.constant 2 : i32
      %add3A_154 = arith.addi %mul3A_152, %add3A_153 : i32
      %jit3A_155 = arith.constant 8 : i32
      %div3A_156 = arith.divsi %add3A_154, %jit3A_155 : i32
      %sign3A_157 = arith.constant 0 : i32
      %sign3A_158 = arith.cmpi sgt, %add3A_154, %sign3A_157 : i32
      %sign3A_159 = arith.extui %sign3A_158 : i1 to i32
      %sign3A_160 = arith.constant 0 : i32
      %sign3A_161 = arith.cmpi slt, %add3A_154, %sign3A_160 : i32
      %sign3A_162 = arith.extui %sign3A_161 : i1 to i32
      %sign3A_163 = arith.subi %sign3A_159, %sign3A_162 : i32
      %sign3A_164 = arith.constant 0 : i32
      %sign3A_165 = arith.cmpi sgt, %jit3A_155, %sign3A_164 : i32
      %sign3A_166 = arith.extui %sign3A_165 : i1 to i32
      %sign3A_167 = arith.constant 0 : i32
      %sign3A_168 = arith.cmpi slt, %jit3A_155, %sign3A_167 : i32
      %sign3A_169 = arith.extui %sign3A_168 : i1 to i32
      %sign3A_170 = arith.subi %sign3A_166, %sign3A_169 : i32
      %ne3A_171 = arith.cmpi ne, %sign3A_163, %sign3A_170 : i32
      %rem3A_172 = arith.remsi %add3A_154, %jit3A_155 : i32
      %ne3A_173 = arith.constant 0 : i32
      %ne3A_174 = arith.cmpi ne, %rem3A_172, %ne3A_173 : i32
      %and3A_175 = arith.andi %ne3A_171, %ne3A_174 : i1
      %sub3A_176 = arith.constant 1 : i32
      %sub3A_177 = arith.subi %div3A_156, %sub3A_176 : i32
      %select_n3A_178 = arith.select %and3A_175, %sub3A_177, %div3A_156 : i32
      %jit3A_179 = arith.constant 8 : i32
      %eq3A_180 = arith.constant 0 : i32
      %eq3A_181 = arith.cmpi eq, %jit3A_179, %eq3A_180 : i32
      %jit3A_182 = arith.constant 1 : i32
      %select_n3A_183 = arith.select %eq3A_181, %jit3A_182, %jit3A_179 : i32
      %rem3A_184 = arith.remsi %add3A_154, %select_n3A_183 : i32
      %ne3A_185 = arith.constant 0 : i32
      %ne3A_186 = arith.cmpi ne, %rem3A_184, %ne3A_185 : i32
      %lt3A_187 = arith.constant 0 : i32
      %lt3A_188 = arith.cmpi slt, %rem3A_184, %lt3A_187 : i32
      %lt3A_189 = arith.constant 0 : i32
      %lt3A_190 = arith.cmpi slt, %select_n3A_183, %lt3A_189 : i32
      %ne3A_191 = arith.xori %lt3A_188, %lt3A_190 : i1
      %and3A_192 = arith.andi %ne3A_191, %ne3A_186 : i1
      %add3A_193 = arith.addi %rem3A_184, %select_n3A_183 : i32
      %select_n3A_194 = arith.select %and3A_192, %add3A_193, %rem3A_184 : i32
      %mul3A_195 = arith.constant 16 : i32
      %mul3A_196 = arith.muli %select_n3A_194, %mul3A_195 : i32
      %get3A_197 = arith.index_cast %select_n3A_178 : i32 to index
      %get3A_198 = arith.index_cast %mul3A_196 : i32 to index
      %get3A_199 = tpu.vector_load %arg6[%get3A_197, %get3A_198] {strides = array<i32>} : memref<8x128xi32, #tpu.memory_space<vmem>>, vector<16xi32>,
      %mul3A_200 = arith.constant 16 : i32
      %mul3A_201 = arith.muli %add3A_154, %mul3A_200 : i32
      %get3A_202 = arith.index_cast %mul3A_201 : i32 to index
      %get3A_203 = tpu.vector_load %arg7[%get3A_202] {strides = array<i32>} : memref<1024xi32, #tpu.memory_space<vmem>>, vector<16xi32>,
      %eq3A_204 = arith.cmpi eq, %get3A_199, %get3A_203 : vector<16xi32>
      %jit3A_205 = arith.constant 1.000000e+00 : f32
      %jit3A_206 = arith.constant 0.000000e+00 : f32
      %broadcast_in_dim3A_207 = vector.broadcast %jit3A_205 : f32 to vector<16xf32>
      %broadcast_in_dim3A_208 = vector.broadcast %jit3A_206 : f32 to vector<16xf32>
      %select_n3A_209 = arith.select %eq3A_204, %broadcast_in_dim3A_207, %broadcast_in_dim3A_208 : vector<16xi1>, vector<16xf32>
      %add3A_210 = arith.addi %mul3A_14, %get3A_199 : vector<16xi32>
      tpu.vector_store_idx %arg8[%add3A_210], %broadcast_in_dim3A_16 {add = true} : memref<16384xf32, #tpu.memory_space<vmem>>[vector<16xi32>], vector<16xf32>,
      tpu.vector_store_idx %arg9[%add3A_210], %select_n3A_209 {add = true} : memref<16384xf32, #tpu.memory_space<vmem>>[vector<16xi32>], vector<16xf32>,
      %mul3A_211 = arith.constant 8 : i32
      %mul3A_212 = arith.muli %scan3A_39, %mul3A_211 : i32
      %add3A_213 = arith.constant 3 : i32
      %add3A_214 = arith.addi %mul3A_212, %add3A_213 : i32
      %jit3A_215 = arith.constant 8 : i32
      %div3A_216 = arith.divsi %add3A_214, %jit3A_215 : i32
      %sign3A_217 = arith.constant 0 : i32
      %sign3A_218 = arith.cmpi sgt, %add3A_214, %sign3A_217 : i32
      %sign3A_219 = arith.extui %sign3A_218 : i1 to i32
      %sign3A_220 = arith.constant 0 : i32
      %sign3A_221 = arith.cmpi slt, %add3A_214, %sign3A_220 : i32
      %sign3A_222 = arith.extui %sign3A_221 : i1 to i32
      %sign3A_223 = arith.subi %sign3A_219, %sign3A_222 : i32
      %sign3A_224 = arith.constant 0 : i32
      %sign3A_225 = arith.cmpi sgt, %jit3A_215, %sign3A_224 : i32
      %sign3A_226 = arith.extui %sign3A_225 : i1 to i32
      %sign3A_227 = arith.constant 0 : i32
      %sign3A_228 = arith.cmpi slt, %jit3A_215, %sign3A_227 : i32
      %sign3A_229 = arith.extui %sign3A_228 : i1 to i32
      %sign3A_230 = arith.subi %sign3A_226, %sign3A_229 : i32
      %ne3A_231 = arith.cmpi ne, %sign3A_223, %sign3A_230 : i32
      %rem3A_232 = arith.remsi %add3A_214, %jit3A_215 : i32
      %ne3A_233 = arith.constant 0 : i32
      %ne3A_234 = arith.cmpi ne, %rem3A_232, %ne3A_233 : i32
      %and3A_235 = arith.andi %ne3A_231, %ne3A_234 : i1
      %sub3A_236 = arith.constant 1 : i32
      %sub3A_237 = arith.subi %div3A_216, %sub3A_236 : i32
      %select_n3A_238 = arith.select %and3A_235, %sub3A_237, %div3A_216 : i32
      %jit3A_239 = arith.constant 8 : i32
      %eq3A_240 = arith.constant 0 : i32
      %eq3A_241 = arith.cmpi eq, %jit3A_239, %eq3A_240 : i32
      %jit3A_242 = arith.constant 1 : i32
      %select_n3A_243 = arith.select %eq3A_241, %jit3A_242, %jit3A_239 : i32
      %rem3A_244 = arith.remsi %add3A_214, %select_n3A_243 : i32
      %ne3A_245 = arith.constant 0 : i32
      %ne3A_246 = arith.cmpi ne, %rem3A_244, %ne3A_245 : i32
      %lt3A_247 = arith.constant 0 : i32
      %lt3A_248 = arith.cmpi slt, %rem3A_244, %lt3A_247 : i32
      %lt3A_249 = arith.constant 0 : i32
      %lt3A_250 = arith.cmpi slt, %select_n3A_243, %lt3A_249 : i32
      %ne3A_251 = arith.xori %lt3A_248, %lt3A_250 : i1
      %and3A_252 = arith.andi %ne3A_251, %ne3A_246 : i1
      %add3A_253 = arith.addi %rem3A_244, %select_n3A_243 : i32
      %select_n3A_254 = arith.select %and3A_252, %add3A_253, %rem3A_244 : i32
      %mul3A_255 = arith.constant 16 : i32
      %mul3A_256 = arith.muli %select_n3A_254, %mul3A_255 : i32
      %get3A_257 = arith.index_cast %select_n3A_238 : i32 to index
      %get3A_258 = arith.index_cast %mul3A_256 : i32 to index
      %get3A_259 = tpu.vector_load %arg6[%get3A_257, %get3A_258] {strides = array<i32>} : memref<8x128xi32, #tpu.memory_space<vmem>>, vector<16xi32>,
      %mul3A_260 = arith.constant 16 : i32
      %mul3A_261 = arith.muli %add3A_214, %mul3A_260 : i32
      %get3A_262 = arith.index_cast %mul3A_261 : i32 to index
      %get3A_263 = tpu.vector_load %arg7[%get3A_262] {strides = array<i32>} : memref<1024xi32, #tpu.memory_space<vmem>>, vector<16xi32>,
      %eq3A_264 = arith.cmpi eq, %get3A_259, %get3A_263 : vector<16xi32>
      %jit3A_265 = arith.constant 1.000000e+00 : f32
      %jit3A_266 = arith.constant 0.000000e+00 : f32
      %broadcast_in_dim3A_267 = vector.broadcast %jit3A_265 : f32 to vector<16xf32>
      %broadcast_in_dim3A_268 = vector.broadcast %jit3A_266 : f32 to vector<16xf32>
      %select_n3A_269 = arith.select %eq3A_264, %broadcast_in_dim3A_267, %broadcast_in_dim3A_268 : vector<16xi1>, vector<16xf32>
      %add3A_270 = arith.addi %mul3A_14, %get3A_259 : vector<16xi32>
      tpu.vector_store_idx %arg8[%add3A_270], %broadcast_in_dim3A_16 {add = true} : memref<16384xf32, #tpu.memory_space<vmem>>[vector<16xi32>], vector<16xf32>,
      tpu.vector_store_idx %arg9[%add3A_270], %select_n3A_269 {add = true} : memref<16384xf32, #tpu.memory_space<vmem>>[vector<16xi32>], vector<16xf32>,
      %mul3A_271 = arith.constant 8 : i32
      %mul3A_272 = arith.muli %scan3A_39, %mul3A_271 : i32
      %add3A_273 = arith.constant 4 : i32
      %add3A_274 = arith.addi %mul3A_272, %add3A_273 : i32
      %jit3A_275 = arith.constant 8 : i32
      %div3A_276 = arith.divsi %add3A_274, %jit3A_275 : i32
      %sign3A_277 = arith.constant 0 : i32
      %sign3A_278 = arith.cmpi sgt, %add3A_274, %sign3A_277 : i32
      %sign3A_279 = arith.extui %sign3A_278 : i1 to i32
      %sign3A_280 = arith.constant 0 : i32
      %sign3A_281 = arith.cmpi slt, %add3A_274, %sign3A_280 : i32
      %sign3A_282 = arith.extui %sign3A_281 : i1 to i32
      %sign3A_283 = arith.subi %sign3A_279, %sign3A_282 : i32
      %sign3A_284 = arith.constant 0 : i32
      %sign3A_285 = arith.cmpi sgt, %jit3A_275, %sign3A_284 : i32
      %sign3A_286 = arith.extui %sign3A_285 : i1 to i32
      %sign3A_287 = arith.constant 0 : i32
      %sign3A_288 = arith.cmpi slt, %jit3A_275, %sign3A_287 : i32
      %sign3A_289 = arith.extui %sign3A_288 : i1 to i32
      %sign3A_290 = arith.subi %sign3A_286, %sign3A_289 : i32
      %ne3A_291 = arith.cmpi ne, %sign3A_283, %sign3A_290 : i32
      %rem3A_292 = arith.remsi %add3A_274, %jit3A_275 : i32
      %ne3A_293 = arith.constant 0 : i32
      %ne3A_294 = arith.cmpi ne, %rem3A_292, %ne3A_293 : i32
      %and3A_295 = arith.andi %ne3A_291, %ne3A_294 : i1
      %sub3A_296 = arith.constant 1 : i32
      %sub3A_297 = arith.subi %div3A_276, %sub3A_296 : i32
      %select_n3A_298 = arith.select %and3A_295, %sub3A_297, %div3A_276 : i32
      %jit3A_299 = arith.constant 8 : i32
      %eq3A_300 = arith.constant 0 : i32
      %eq3A_301 = arith.cmpi eq, %jit3A_299, %eq3A_300 : i32
      %jit3A_302 = arith.constant 1 : i32
      %select_n3A_303 = arith.select %eq3A_301, %jit3A_302, %jit3A_299 : i32
      %rem3A_304 = arith.remsi %add3A_274, %select_n3A_303 : i32
      %ne3A_305 = arith.constant 0 : i32
      %ne3A_306 = arith.cmpi ne, %rem3A_304, %ne3A_305 : i32
      %lt3A_307 = arith.constant 0 : i32
      %lt3A_308 = arith.cmpi slt, %rem3A_304, %lt3A_307 : i32
      %lt3A_309 = arith.constant 0 : i32
      %lt3A_310 = arith.cmpi slt, %select_n3A_303, %lt3A_309 : i32
      %ne3A_311 = arith.xori %lt3A_308, %lt3A_310 : i1
      %and3A_312 = arith.andi %ne3A_311, %ne3A_306 : i1
      %add3A_313 = arith.addi %rem3A_304, %select_n3A_303 : i32
      %select_n3A_314 = arith.select %and3A_312, %add3A_313, %rem3A_304 : i32
      %mul3A_315 = arith.constant 16 : i32
      %mul3A_316 = arith.muli %select_n3A_314, %mul3A_315 : i32
      %get3A_317 = arith.index_cast %select_n3A_298 : i32 to index
      %get3A_318 = arith.index_cast %mul3A_316 : i32 to index
      %get3A_319 = tpu.vector_load %arg6[%get3A_317, %get3A_318] {strides = array<i32>} : memref<8x128xi32, #tpu.memory_space<vmem>>, vector<16xi32>,
      %mul3A_320 = arith.constant 16 : i32
      %mul3A_321 = arith.muli %add3A_274, %mul3A_320 : i32
      %get3A_322 = arith.index_cast %mul3A_321 : i32 to index
      %get3A_323 = tpu.vector_load %arg7[%get3A_322] {strides = array<i32>} : memref<1024xi32, #tpu.memory_space<vmem>>, vector<16xi32>,
      %eq3A_324 = arith.cmpi eq, %get3A_319, %get3A_323 : vector<16xi32>
      %jit3A_325 = arith.constant 1.000000e+00 : f32
      %jit3A_326 = arith.constant 0.000000e+00 : f32
      %broadcast_in_dim3A_327 = vector.broadcast %jit3A_325 : f32 to vector<16xf32>
      %broadcast_in_dim3A_328 = vector.broadcast %jit3A_326 : f32 to vector<16xf32>
      %select_n3A_329 = arith.select %eq3A_324, %broadcast_in_dim3A_327, %broadcast_in_dim3A_328 : vector<16xi1>, vector<16xf32>
      %add3A_330 = arith.addi %mul3A_14, %get3A_319 : vector<16xi32>
      tpu.vector_store_idx %arg8[%add3A_330], %broadcast_in_dim3A_16 {add = true} : memref<16384xf32, #tpu.memory_space<vmem>>[vector<16xi32>], vector<16xf32>,
      tpu.vector_store_idx %arg9[%add3A_330], %select_n3A_329 {add = true} : memref<16384xf32, #tpu.memory_space<vmem>>[vector<16xi32>], vector<16xf32>,
      %mul3A_331 = arith.constant 8 : i32
      %mul3A_332 = arith.muli %scan3A_39, %mul3A_331 : i32
      %add3A_333 = arith.constant 5 : i32
      %add3A_334 = arith.addi %mul3A_332, %add3A_333 : i32
      %jit3A_335 = arith.constant 8 : i32
      %div3A_336 = arith.divsi %add3A_334, %jit3A_335 : i32
      %sign3A_337 = arith.constant 0 : i32
      %sign3A_338 = arith.cmpi sgt, %add3A_334, %sign3A_337 : i32
      %sign3A_339 = arith.extui %sign3A_338 : i1 to i32
      %sign3A_340 = arith.constant 0 : i32
      %sign3A_341 = arith.cmpi slt, %add3A_334, %sign3A_340 : i32
      %sign3A_342 = arith.extui %sign3A_341 : i1 to i32
      %sign3A_343 = arith.subi %sign3A_339, %sign3A_342 : i32
      %sign3A_344 = arith.constant 0 : i32
      %sign3A_345 = arith.cmpi sgt, %jit3A_335, %sign3A_344 : i32
      %sign3A_346 = arith.extui %sign3A_345 : i1 to i32
      %sign3A_347 = arith.constant 0 : i32
      %sign3A_348 = arith.cmpi slt, %jit3A_335, %sign3A_347 : i32
      %sign3A_349 = arith.extui %sign3A_348 : i1 to i32
      %sign3A_350 = arith.subi %sign3A_346, %sign3A_349 : i32
      %ne3A_351 = arith.cmpi ne, %sign3A_343, %sign3A_350 : i32
      %rem3A_352 = arith.remsi %add3A_334, %jit3A_335 : i32
      %ne3A_353 = arith.constant 0 : i32
      %ne3A_354 = arith.cmpi ne, %rem3A_352, %ne3A_353 : i32
      %and3A_355 = arith.andi %ne3A_351, %ne3A_354 : i1
      %sub3A_356 = arith.constant 1 : i32
      %sub3A_357 = arith.subi %div3A_336, %sub3A_356 : i32
      %select_n3A_358 = arith.select %and3A_355, %sub3A_357, %div3A_336 : i32
      %jit3A_359 = arith.constant 8 : i32
      %eq3A_360 = arith.constant 0 : i32
      %eq3A_361 = arith.cmpi eq, %jit3A_359, %eq3A_360 : i32
      %jit3A_362 = arith.constant 1 : i32
      %select_n3A_363 = arith.select %eq3A_361, %jit3A_362, %jit3A_359 : i32
      %rem3A_364 = arith.remsi %add3A_334, %select_n3A_363 : i32
      %ne3A_365 = arith.constant 0 : i32
      %ne3A_366 = arith.cmpi ne, %rem3A_364, %ne3A_365 : i32
      %lt3A_367 = arith.constant 0 : i32
      %lt3A_368 = arith.cmpi slt, %rem3A_364, %lt3A_367 : i32
      %lt3A_369 = arith.constant 0 : i32
      %lt3A_370 = arith.cmpi slt, %select_n3A_363, %lt3A_369 : i32
      %ne3A_371 = arith.xori %lt3A_368, %lt3A_370 : i1
      %and3A_372 = arith.andi %ne3A_371, %ne3A_366 : i1
      %add3A_373 = arith.addi %rem3A_364, %select_n3A_363 : i32
      %select_n3A_374 = arith.select %and3A_372, %add3A_373, %rem3A_364 : i32
      %mul3A_375 = arith.constant 16 : i32
      %mul3A_376 = arith.muli %select_n3A_374, %mul3A_375 : i32
      %get3A_377 = arith.index_cast %select_n3A_358 : i32 to index
      %get3A_378 = arith.index_cast %mul3A_376 : i32 to index
      %get3A_379 = tpu.vector_load %arg6[%get3A_377, %get3A_378] {strides = array<i32>} : memref<8x128xi32, #tpu.memory_space<vmem>>, vector<16xi32>,
      %mul3A_380 = arith.constant 16 : i32
      %mul3A_381 = arith.muli %add3A_334, %mul3A_380 : i32
      %get3A_382 = arith.index_cast %mul3A_381 : i32 to index
      %get3A_383 = tpu.vector_load %arg7[%get3A_382] {strides = array<i32>} : memref<1024xi32, #tpu.memory_space<vmem>>, vector<16xi32>,
      %eq3A_384 = arith.cmpi eq, %get3A_379, %get3A_383 : vector<16xi32>
      %jit3A_385 = arith.constant 1.000000e+00 : f32
      %jit3A_386 = arith.constant 0.000000e+00 : f32
      %broadcast_in_dim3A_387 = vector.broadcast %jit3A_385 : f32 to vector<16xf32>
      %broadcast_in_dim3A_388 = vector.broadcast %jit3A_386 : f32 to vector<16xf32>
      %select_n3A_389 = arith.select %eq3A_384, %broadcast_in_dim3A_387, %broadcast_in_dim3A_388 : vector<16xi1>, vector<16xf32>
      %add3A_390 = arith.addi %mul3A_14, %get3A_379 : vector<16xi32>
      tpu.vector_store_idx %arg8[%add3A_390], %broadcast_in_dim3A_16 {add = true} : memref<16384xf32, #tpu.memory_space<vmem>>[vector<16xi32>], vector<16xf32>,
      tpu.vector_store_idx %arg9[%add3A_390], %select_n3A_389 {add = true} : memref<16384xf32, #tpu.memory_space<vmem>>[vector<16xi32>], vector<16xf32>,
      %mul3A_391 = arith.constant 8 : i32
      %mul3A_392 = arith.muli %scan3A_39, %mul3A_391 : i32
      %add3A_393 = arith.constant 6 : i32
      %add3A_394 = arith.addi %mul3A_392, %add3A_393 : i32
      %jit3A_395 = arith.constant 8 : i32
      %div3A_396 = arith.divsi %add3A_394, %jit3A_395 : i32
      %sign3A_397 = arith.constant 0 : i32
      %sign3A_398 = arith.cmpi sgt, %add3A_394, %sign3A_397 : i32
      %sign3A_399 = arith.extui %sign3A_398 : i1 to i32
      %sign3A_400 = arith.constant 0 : i32
      %sign3A_401 = arith.cmpi slt, %add3A_394, %sign3A_400 : i32
      %sign3A_402 = arith.extui %sign3A_401 : i1 to i32
      %sign3A_403 = arith.subi %sign3A_399, %sign3A_402 : i32
      %sign3A_404 = arith.constant 0 : i32
      %sign3A_405 = arith.cmpi sgt, %jit3A_395, %sign3A_404 : i32
      %sign3A_406 = arith.extui %sign3A_405 : i1 to i32
      %sign3A_407 = arith.constant 0 : i32
      %sign3A_408 = arith.cmpi slt, %jit3A_395, %sign3A_407 : i32
      %sign3A_409 = arith.extui %sign3A_408 : i1 to i32
      %sign3A_410 = arith.subi %sign3A_406, %sign3A_409 : i32
      %ne3A_411 = arith.cmpi ne, %sign3A_403, %sign3A_410 : i32
      %rem3A_412 = arith.remsi %add3A_394, %jit3A_395 : i32
      %ne3A_413 = arith.constant 0 : i32
      %ne3A_414 = arith.cmpi ne, %rem3A_412, %ne3A_413 : i32
      %and3A_415 = arith.andi %ne3A_411, %ne3A_414 : i1
      %sub3A_416 = arith.constant 1 : i32
      %sub3A_417 = arith.subi %div3A_396, %sub3A_416 : i32
      %select_n3A_418 = arith.select %and3A_415, %sub3A_417, %div3A_396 : i32
      %jit3A_419 = arith.constant 8 : i32
      %eq3A_420 = arith.constant 0 : i32
      %eq3A_421 = arith.cmpi eq, %jit3A_419, %eq3A_420 : i32
      %jit3A_422 = arith.constant 1 : i32
      %select_n3A_423 = arith.select %eq3A_421, %jit3A_422, %jit3A_419 : i32
      %rem3A_424 = arith.remsi %add3A_394, %select_n3A_423 : i32
      %ne3A_425 = arith.constant 0 : i32
      %ne3A_426 = arith.cmpi ne, %rem3A_424, %ne3A_425 : i32
      %lt3A_427 = arith.constant 0 : i32
      %lt3A_428 = arith.cmpi slt, %rem3A_424, %lt3A_427 : i32
      %lt3A_429 = arith.constant 0 : i32
      %lt3A_430 = arith.cmpi slt, %select_n3A_423, %lt3A_429 : i32
      %ne3A_431 = arith.xori %lt3A_428, %lt3A_430 : i1
      %and3A_432 = arith.andi %ne3A_431, %ne3A_426 : i1
      %add3A_433 = arith.addi %rem3A_424, %select_n3A_423 : i32
      %select_n3A_434 = arith.select %and3A_432, %add3A_433, %rem3A_424 : i32
      %mul3A_435 = arith.constant 16 : i32
      %mul3A_436 = arith.muli %select_n3A_434, %mul3A_435 : i32
      %get3A_437 = arith.index_cast %select_n3A_418 : i32 to index
      %get3A_438 = arith.index_cast %mul3A_436 : i32 to index
      %get3A_439 = tpu.vector_load %arg6[%get3A_437, %get3A_438] {strides = array<i32>} : memref<8x128xi32, #tpu.memory_space<vmem>>, vector<16xi32>,
      %mul3A_440 = arith.constant 16 : i32
      %mul3A_441 = arith.muli %add3A_394, %mul3A_440 : i32
      %get3A_442 = arith.index_cast %mul3A_441 : i32 to index
      %get3A_443 = tpu.vector_load %arg7[%get3A_442] {strides = array<i32>} : memref<1024xi32, #tpu.memory_space<vmem>>, vector<16xi32>,
      %eq3A_444 = arith.cmpi eq, %get3A_439, %get3A_443 : vector<16xi32>
      %jit3A_445 = arith.constant 1.000000e+00 : f32
      %jit3A_446 = arith.constant 0.000000e+00 : f32
      %broadcast_in_dim3A_447 = vector.broadcast %jit3A_445 : f32 to vector<16xf32>
      %broadcast_in_dim3A_448 = vector.broadcast %jit3A_446 : f32 to vector<16xf32>
      %select_n3A_449 = arith.select %eq3A_444, %broadcast_in_dim3A_447, %broadcast_in_dim3A_448 : vector<16xi1>, vector<16xf32>
      %add3A_450 = arith.addi %mul3A_14, %get3A_439 : vector<16xi32>
      tpu.vector_store_idx %arg8[%add3A_450], %broadcast_in_dim3A_16 {add = true} : memref<16384xf32, #tpu.memory_space<vmem>>[vector<16xi32>], vector<16xf32>,
      tpu.vector_store_idx %arg9[%add3A_450], %select_n3A_449 {add = true} : memref<16384xf32, #tpu.memory_space<vmem>>[vector<16xi32>], vector<16xf32>,
      %mul3A_451 = arith.constant 8 : i32
      %mul3A_452 = arith.muli %scan3A_39, %mul3A_451 : i32
      %add3A_453 = arith.constant 7 : i32
      %add3A_454 = arith.addi %mul3A_452, %add3A_453 : i32
      %jit3A_455 = arith.constant 8 : i32
      %div3A_456 = arith.divsi %add3A_454, %jit3A_455 : i32
      %sign3A_457 = arith.constant 0 : i32
      %sign3A_458 = arith.cmpi sgt, %add3A_454, %sign3A_457 : i32
      %sign3A_459 = arith.extui %sign3A_458 : i1 to i32
      %sign3A_460 = arith.constant 0 : i32
      %sign3A_461 = arith.cmpi slt, %add3A_454, %sign3A_460 : i32
      %sign3A_462 = arith.extui %sign3A_461 : i1 to i32
      %sign3A_463 = arith.subi %sign3A_459, %sign3A_462 : i32
      %sign3A_464 = arith.constant 0 : i32
      %sign3A_465 = arith.cmpi sgt, %jit3A_455, %sign3A_464 : i32
      %sign3A_466 = arith.extui %sign3A_465 : i1 to i32
      %sign3A_467 = arith.constant 0 : i32
      %sign3A_468 = arith.cmpi slt, %jit3A_455, %sign3A_467 : i32
      %sign3A_469 = arith.extui %sign3A_468 : i1 to i32
      %sign3A_470 = arith.subi %sign3A_466, %sign3A_469 : i32
      %ne3A_471 = arith.cmpi ne, %sign3A_463, %sign3A_470 : i32
      %rem3A_472 = arith.remsi %add3A_454, %jit3A_455 : i32
      %ne3A_473 = arith.constant 0 : i32
      %ne3A_474 = arith.cmpi ne, %rem3A_472, %ne3A_473 : i32
      %and3A_475 = arith.andi %ne3A_471, %ne3A_474 : i1
      %sub3A_476 = arith.constant 1 : i32
      %sub3A_477 = arith.subi %div3A_456, %sub3A_476 : i32
      %select_n3A_478 = arith.select %and3A_475, %sub3A_477, %div3A_456 : i32
      %jit3A_479 = arith.constant 8 : i32
      %eq3A_480 = arith.constant 0 : i32
      %eq3A_481 = arith.cmpi eq, %jit3A_479, %eq3A_480 : i32
      %jit3A_482 = arith.constant 1 : i32
      %select_n3A_483 = arith.select %eq3A_481, %jit3A_482, %jit3A_479 : i32
      %rem3A_484 = arith.remsi %add3A_454, %select_n3A_483 : i32
      %ne3A_485 = arith.constant 0 : i32
      %ne3A_486 = arith.cmpi ne, %rem3A_484, %ne3A_485 : i32
      %lt3A_487 = arith.constant 0 : i32
      %lt3A_488 = arith.cmpi slt, %rem3A_484, %lt3A_487 : i32
      %lt3A_489 = arith.constant 0 : i32
      %lt3A_490 = arith.cmpi slt, %select_n3A_483, %lt3A_489 : i32
      %ne3A_491 = arith.xori %lt3A_488, %lt3A_490 : i1
      %and3A_492 = arith.andi %ne3A_491, %ne3A_486 : i1
      %add3A_493 = arith.addi %rem3A_484, %select_n3A_483 : i32
      %select_n3A_494 = arith.select %and3A_492, %add3A_493, %rem3A_484 : i32
      %mul3A_495 = arith.constant 16 : i32
      %mul3A_496 = arith.muli %select_n3A_494, %mul3A_495 : i32
      %get3A_497 = arith.index_cast %select_n3A_478 : i32 to index
      %get3A_498 = arith.index_cast %mul3A_496 : i32 to index
      %get3A_499 = tpu.vector_load %arg6[%get3A_497, %get3A_498] {strides = array<i32>} : memref<8x128xi32, #tpu.memory_space<vmem>>, vector<16xi32>,
      %mul3A_500 = arith.constant 16 : i32
      %mul3A_501 = arith.muli %add3A_454, %mul3A_500 : i32
      %get3A_502 = arith.index_cast %mul3A_501 : i32 to index
      %get3A_503 = tpu.vector_load %arg7[%get3A_502] {strides = array<i32>} : memref<1024xi32, #tpu.memory_space<vmem>>, vector<16xi32>,
      %eq3A_504 = arith.cmpi eq, %get3A_499, %get3A_503 : vector<16xi32>
      %jit3A_505 = arith.constant 1.000000e+00 : f32
      %jit3A_506 = arith.constant 0.000000e+00 : f32
      %broadcast_in_dim3A_507 = vector.broadcast %jit3A_505 : f32 to vector<16xf32>
      %broadcast_in_dim3A_508 = vector.broadcast %jit3A_506 : f32 to vector<16xf32>
      %select_n3A_509 = arith.select %eq3A_504, %broadcast_in_dim3A_507, %broadcast_in_dim3A_508 : vector<16xi1>, vector<16xf32>
      %add3A_510 = arith.addi %mul3A_14, %get3A_499 : vector<16xi32>
      tpu.vector_store_idx %arg8[%add3A_510], %broadcast_in_dim3A_16 {add = true} : memref<16384xf32, #tpu.memory_space<vmem>>[vector<16xi32>], vector<16xf32>,
      tpu.vector_store_idx %arg9[%add3A_510], %select_n3A_509 {add = true} : memref<16384xf32, #tpu.memory_space<vmem>>[vector<16xi32>], vector<16xf32>,
      %scan3A_511 = arith.constant 0 : i32
      scf.yield %scan3A_511 : i32
    }
    %scan3A_23 = arith.constant 8 : i32
    %scan3A_24 = arith.constant 0 : i32
    %scan3A_25 = arith.constant 0 : i32
    %scan3A_26 = arith.constant 64 : i32
    %scan3A_27 = arith.addi %scan3A_25, %scan3A_26 : i32
    %scan3A_28 = arith.constant 1 : i32
    %scan3A_29 = scf.for %scan3A_39 = %scan3A_25 to %scan3A_27 step %scan3A_28 iter_args(%scan3A_40 = %scan3A_24) -> (i32)  : i32 {
      %mul3A_41 = arith.constant 16 : i32
      %mul3A_42 = arith.muli %scan3A_39, %mul3A_41 : i32
      %add3A = arith.constant 0 : i32
      %add3A_43 = arith.addi %add3A, %mul3A_42 : i32
      %get3A = arith.index_cast %add3A_43 : i32 to index
      %get3A_44 = tpu.vector_load %arg8[%get3A] {strides = array<i32>} : memref<16384xf32, #tpu.memory_space<vmem>>, vector<16xf32>,
      %add3A_45 = arith.addf %broadcast_in_dim3A_3, %get3A_44 : vector<16xf32>
      %mul3A_46 = arith.constant 16 : i32
      %mul3A_47 = arith.muli %scan3A_39, %mul3A_46 : i32
      %add3A_48 = arith.constant 0 : i32
      %add3A_49 = arith.addi %add3A_48, %mul3A_47 : i32
      %get3A_50 = arith.index_cast %add3A_49 : i32 to index
      %get3A_51 = tpu.vector_load %arg9[%get3A_50] {strides = array<i32>} : memref<16384xf32, #tpu.memory_space<vmem>>, vector<16xf32>,
      %add3A_52 = arith.addf %broadcast_in_dim3A_3, %get3A_51 : vector<16xf32>
      %mul3A_53 = arith.constant 16 : i32
      %mul3A_54 = arith.muli %scan3A_39, %mul3A_53 : i32
      %add3A_55 = arith.constant 1024 : i32
      %add3A_56 = arith.addi %add3A_55, %mul3A_54 : i32
      %get3A_57 = arith.index_cast %add3A_56 : i32 to index
      %get3A_58 = tpu.vector_load %arg8[%get3A_57] {strides = array<i32>} : memref<16384xf32, #tpu.memory_space<vmem>>, vector<16xf32>,
      %add3A_59 = arith.addf %add3A_45, %get3A_58 : vector<16xf32>
      %mul3A_60 = arith.constant 16 : i32
      %mul3A_61 = arith.muli %scan3A_39, %mul3A_60 : i32
      %add3A_62 = arith.constant 1024 : i32
      %add3A_63 = arith.addi %add3A_62, %mul3A_61 : i32
      %get3A_64 = arith.index_cast %add3A_63 : i32 to index
      %get3A_65 = tpu.vector_load %arg9[%get3A_64] {strides = array<i32>} : memref<16384xf32, #tpu.memory_space<vmem>>, vector<16xf32>,
      %add3A_66 = arith.addf %add3A_52, %get3A_65 : vector<16xf32>
      %mul3A_67 = arith.constant 16 : i32
      %mul3A_68 = arith.muli %scan3A_39, %mul3A_67 : i32
      %add3A_69 = arith.constant 2048 : i32
      %add3A_70 = arith.addi %add3A_69, %mul3A_68 : i32
      %get3A_71 = arith.index_cast %add3A_70 : i32 to index
      %get3A_72 = tpu.vector_load %arg8[%get3A_71] {strides = array<i32>} : memref<16384xf32, #tpu.memory_space<vmem>>, vector<16xf32>,
      %add3A_73 = arith.addf %add3A_59, %get3A_72 : vector<16xf32>
      %mul3A_74 = arith.constant 16 : i32
      %mul3A_75 = arith.muli %scan3A_39, %mul3A_74 : i32
      %add3A_76 = arith.constant 2048 : i32
      %add3A_77 = arith.addi %add3A_76, %mul3A_75 : i32
      %get3A_78 = arith.index_cast %add3A_77 : i32 to index
      %get3A_79 = tpu.vector_load %arg9[%get3A_78] {strides = array<i32>} : memref<16384xf32, #tpu.memory_space<vmem>>, vector<16xf32>,
      %add3A_80 = arith.addf %add3A_66, %get3A_79 : vector<16xf32>
      %mul3A_81 = arith.constant 16 : i32
      %mul3A_82 = arith.muli %scan3A_39, %mul3A_81 : i32
      %add3A_83 = arith.constant 3072 : i32
      %add3A_84 = arith.addi %add3A_83, %mul3A_82 : i32
      %get3A_85 = arith.index_cast %add3A_84 : i32 to index
      %get3A_86 = tpu.vector_load %arg8[%get3A_85] {strides = array<i32>} : memref<16384xf32, #tpu.memory_space<vmem>>, vector<16xf32>,
      %add3A_87 = arith.addf %add3A_73, %get3A_86 : vector<16xf32>
      %mul3A_88 = arith.constant 16 : i32
      %mul3A_89 = arith.muli %scan3A_39, %mul3A_88 : i32
      %add3A_90 = arith.constant 3072 : i32
      %add3A_91 = arith.addi %add3A_90, %mul3A_89 : i32
      %get3A_92 = arith.index_cast %add3A_91 : i32 to index
      %get3A_93 = tpu.vector_load %arg9[%get3A_92] {strides = array<i32>} : memref<16384xf32, #tpu.memory_space<vmem>>, vector<16xf32>,
      %add3A_94 = arith.addf %add3A_80, %get3A_93 : vector<16xf32>
      %mul3A_95 = arith.constant 16 : i32
      %mul3A_96 = arith.muli %scan3A_39, %mul3A_95 : i32
      %add3A_97 = arith.constant 4096 : i32
      %add3A_98 = arith.addi %add3A_97, %mul3A_96 : i32
      %get3A_99 = arith.index_cast %add3A_98 : i32 to index
      %get3A_100 = tpu.vector_load %arg8[%get3A_99] {strides = array<i32>} : memref<16384xf32, #tpu.memory_space<vmem>>, vector<16xf32>,
      %add3A_101 = arith.addf %add3A_87, %get3A_100 : vector<16xf32>
      %mul3A_102 = arith.constant 16 : i32
      %mul3A_103 = arith.muli %scan3A_39, %mul3A_102 : i32
      %add3A_104 = arith.constant 4096 : i32
      %add3A_105 = arith.addi %add3A_104, %mul3A_103 : i32
      %get3A_106 = arith.index_cast %add3A_105 : i32 to index
      %get3A_107 = tpu.vector_load %arg9[%get3A_106] {strides = array<i32>} : memref<16384xf32, #tpu.memory_space<vmem>>, vector<16xf32>,
      %add3A_108 = arith.addf %add3A_94, %get3A_107 : vector<16xf32>
      %mul3A_109 = arith.constant 16 : i32
      %mul3A_110 = arith.muli %scan3A_39, %mul3A_109 : i32
      %add3A_111 = arith.constant 5120 : i32
      %add3A_112 = arith.addi %add3A_111, %mul3A_110 : i32
      %get3A_113 = arith.index_cast %add3A_112 : i32 to index
      %get3A_114 = tpu.vector_load %arg8[%get3A_113] {strides = array<i32>} : memref<16384xf32, #tpu.memory_space<vmem>>, vector<16xf32>,
      %add3A_115 = arith.addf %add3A_101, %get3A_114 : vector<16xf32>
      %mul3A_116 = arith.constant 16 : i32
      %mul3A_117 = arith.muli %scan3A_39, %mul3A_116 : i32
      %add3A_118 = arith.constant 5120 : i32
      %add3A_119 = arith.addi %add3A_118, %mul3A_117 : i32
      %get3A_120 = arith.index_cast %add3A_119 : i32 to index
      %get3A_121 = tpu.vector_load %arg9[%get3A_120] {strides = array<i32>} : memref<16384xf32, #tpu.memory_space<vmem>>, vector<16xf32>,
      %add3A_122 = arith.addf %add3A_108, %get3A_121 : vector<16xf32>
      %mul3A_123 = arith.constant 16 : i32
      %mul3A_124 = arith.muli %scan3A_39, %mul3A_123 : i32
      %add3A_125 = arith.constant 6144 : i32
      %add3A_126 = arith.addi %add3A_125, %mul3A_124 : i32
      %get3A_127 = arith.index_cast %add3A_126 : i32 to index
      %get3A_128 = tpu.vector_load %arg8[%get3A_127] {strides = array<i32>} : memref<16384xf32, #tpu.memory_space<vmem>>, vector<16xf32>,
      %add3A_129 = arith.addf %add3A_115, %get3A_128 : vector<16xf32>
      %mul3A_130 = arith.constant 16 : i32
      %mul3A_131 = arith.muli %scan3A_39, %mul3A_130 : i32
      %add3A_132 = arith.constant 6144 : i32
      %add3A_133 = arith.addi %add3A_132, %mul3A_131 : i32
      %get3A_134 = arith.index_cast %add3A_133 : i32 to index
      %get3A_135 = tpu.vector_load %arg9[%get3A_134] {strides = array<i32>} : memref<16384xf32, #tpu.memory_space<vmem>>, vector<16xf32>,
      %add3A_136 = arith.addf %add3A_122, %get3A_135 : vector<16xf32>
      %mul3A_137 = arith.constant 16 : i32
      %mul3A_138 = arith.muli %scan3A_39, %mul3A_137 : i32
      %add3A_139 = arith.constant 7168 : i32
      %add3A_140 = arith.addi %add3A_139, %mul3A_138 : i32
      %get3A_141 = arith.index_cast %add3A_140 : i32 to index
      %get3A_142 = tpu.vector_load %arg8[%get3A_141] {strides = array<i32>} : memref<16384xf32, #tpu.memory_space<vmem>>, vector<16xf32>,
      %add3A_143 = arith.addf %add3A_129, %get3A_142 : vector<16xf32>
      %mul3A_144 = arith.constant 16 : i32
      %mul3A_145 = arith.muli %scan3A_39, %mul3A_144 : i32
      %add3A_146 = arith.constant 7168 : i32
      %add3A_147 = arith.addi %add3A_146, %mul3A_145 : i32
      %get3A_148 = arith.index_cast %add3A_147 : i32 to index
      %get3A_149 = tpu.vector_load %arg9[%get3A_148] {strides = array<i32>} : memref<16384xf32, #tpu.memory_space<vmem>>, vector<16xf32>,
      %add3A_150 = arith.addf %add3A_136, %get3A_149 : vector<16xf32>
      %mul3A_151 = arith.constant 16 : i32
      %mul3A_152 = arith.muli %scan3A_39, %mul3A_151 : i32
      %add3A_153 = arith.constant 8192 : i32
      %add3A_154 = arith.addi %add3A_153, %mul3A_152 : i32
      %get3A_155 = arith.index_cast %add3A_154 : i32 to index
      %get3A_156 = tpu.vector_load %arg8[%get3A_155] {strides = array<i32>} : memref<16384xf32, #tpu.memory_space<vmem>>, vector<16xf32>,
      %add3A_157 = arith.addf %add3A_143, %get3A_156 : vector<16xf32>
      %mul3A_158 = arith.constant 16 : i32
      %mul3A_159 = arith.muli %scan3A_39, %mul3A_158 : i32
      %add3A_160 = arith.constant 8192 : i32
      %add3A_161 = arith.addi %add3A_160, %mul3A_159 : i32
      %get3A_162 = arith.index_cast %add3A_161 : i32 to index
      %get3A_163 = tpu.vector_load %arg9[%get3A_162] {strides = array<i32>} : memref<16384xf32, #tpu.memory_space<vmem>>, vector<16xf32>,
      %add3A_164 = arith.addf %add3A_150, %get3A_163 : vector<16xf32>
      %mul3A_165 = arith.constant 16 : i32
      %mul3A_166 = arith.muli %scan3A_39, %mul3A_165 : i32
      %add3A_167 = arith.constant 9216 : i32
      %add3A_168 = arith.addi %add3A_167, %mul3A_166 : i32
      %get3A_169 = arith.index_cast %add3A_168 : i32 to index
      %get3A_170 = tpu.vector_load %arg8[%get3A_169] {strides = array<i32>} : memref<16384xf32, #tpu.memory_space<vmem>>, vector<16xf32>,
      %add3A_171 = arith.addf %add3A_157, %get3A_170 : vector<16xf32>
      %mul3A_172 = arith.constant 16 : i32
      %mul3A_173 = arith.muli %scan3A_39, %mul3A_172 : i32
      %add3A_174 = arith.constant 9216 : i32
      %add3A_175 = arith.addi %add3A_174, %mul3A_173 : i32
      %get3A_176 = arith.index_cast %add3A_175 : i32 to index
      %get3A_177 = tpu.vector_load %arg9[%get3A_176] {strides = array<i32>} : memref<16384xf32, #tpu.memory_space<vmem>>, vector<16xf32>,
      %add3A_178 = arith.addf %add3A_164, %get3A_177 : vector<16xf32>
      %mul3A_179 = arith.constant 16 : i32
      %mul3A_180 = arith.muli %scan3A_39, %mul3A_179 : i32
      %add3A_181 = arith.constant 10240 : i32
      %add3A_182 = arith.addi %add3A_181, %mul3A_180 : i32
      %get3A_183 = arith.index_cast %add3A_182 : i32 to index
      %get3A_184 = tpu.vector_load %arg8[%get3A_183] {strides = array<i32>} : memref<16384xf32, #tpu.memory_space<vmem>>, vector<16xf32>,
      %add3A_185 = arith.addf %add3A_171, %get3A_184 : vector<16xf32>
      %mul3A_186 = arith.constant 16 : i32
      %mul3A_187 = arith.muli %scan3A_39, %mul3A_186 : i32
      %add3A_188 = arith.constant 10240 : i32
      %add3A_189 = arith.addi %add3A_188, %mul3A_187 : i32
      %get3A_190 = arith.index_cast %add3A_189 : i32 to index
      %get3A_191 = tpu.vector_load %arg9[%get3A_190] {strides = array<i32>} : memref<16384xf32, #tpu.memory_space<vmem>>, vector<16xf32>,
      %add3A_192 = arith.addf %add3A_178, %get3A_191 : vector<16xf32>
      %mul3A_193 = arith.constant 16 : i32
      %mul3A_194 = arith.muli %scan3A_39, %mul3A_193 : i32
      %add3A_195 = arith.constant 11264 : i32
      %add3A_196 = arith.addi %add3A_195, %mul3A_194 : i32
      %get3A_197 = arith.index_cast %add3A_196 : i32 to index
      %get3A_198 = tpu.vector_load %arg8[%get3A_197] {strides = array<i32>} : memref<16384xf32, #tpu.memory_space<vmem>>, vector<16xf32>,
      %add3A_199 = arith.addf %add3A_185, %get3A_198 : vector<16xf32>
      %mul3A_200 = arith.constant 16 : i32
      %mul3A_201 = arith.muli %scan3A_39, %mul3A_200 : i32
      %add3A_202 = arith.constant 11264 : i32
      %add3A_203 = arith.addi %add3A_202, %mul3A_201 : i32
      %get3A_204 = arith.index_cast %add3A_203 : i32 to index
      %get3A_205 = tpu.vector_load %arg9[%get3A_204] {strides = array<i32>} : memref<16384xf32, #tpu.memory_space<vmem>>, vector<16xf32>,
      %add3A_206 = arith.addf %add3A_192, %get3A_205 : vector<16xf32>
      %mul3A_207 = arith.constant 16 : i32
      %mul3A_208 = arith.muli %scan3A_39, %mul3A_207 : i32
      %add3A_209 = arith.constant 12288 : i32
      %add3A_210 = arith.addi %add3A_209, %mul3A_208 : i32
      %get3A_211 = arith.index_cast %add3A_210 : i32 to index
      %get3A_212 = tpu.vector_load %arg8[%get3A_211] {strides = array<i32>} : memref<16384xf32, #tpu.memory_space<vmem>>, vector<16xf32>,
      %add3A_213 = arith.addf %add3A_199, %get3A_212 : vector<16xf32>
      %mul3A_214 = arith.constant 16 : i32
      %mul3A_215 = arith.muli %scan3A_39, %mul3A_214 : i32
      %add3A_216 = arith.constant 12288 : i32
      %add3A_217 = arith.addi %add3A_216, %mul3A_215 : i32
      %get3A_218 = arith.index_cast %add3A_217 : i32 to index
      %get3A_219 = tpu.vector_load %arg9[%get3A_218] {strides = array<i32>} : memref<16384xf32, #tpu.memory_space<vmem>>, vector<16xf32>,
      %add3A_220 = arith.addf %add3A_206, %get3A_219 : vector<16xf32>
      %mul3A_221 = arith.constant 16 : i32
      %mul3A_222 = arith.muli %scan3A_39, %mul3A_221 : i32
      %add3A_223 = arith.constant 13312 : i32
      %add3A_224 = arith.addi %add3A_223, %mul3A_222 : i32
      %get3A_225 = arith.index_cast %add3A_224 : i32 to index
      %get3A_226 = tpu.vector_load %arg8[%get3A_225] {strides = array<i32>} : memref<16384xf32, #tpu.memory_space<vmem>>, vector<16xf32>,
      %add3A_227 = arith.addf %add3A_213, %get3A_226 : vector<16xf32>
      %mul3A_228 = arith.constant 16 : i32
      %mul3A_229 = arith.muli %scan3A_39, %mul3A_228 : i32
      %add3A_230 = arith.constant 13312 : i32
      %add3A_231 = arith.addi %add3A_230, %mul3A_229 : i32
      %get3A_232 = arith.index_cast %add3A_231 : i32 to index
      %get3A_233 = tpu.vector_load %arg9[%get3A_232] {strides = array<i32>} : memref<16384xf32, #tpu.memory_space<vmem>>, vector<16xf32>,
      %add3A_234 = arith.addf %add3A_220, %get3A_233 : vector<16xf32>
      %mul3A_235 = arith.constant 16 : i32
      %mul3A_236 = arith.muli %scan3A_39, %mul3A_235 : i32
      %add3A_237 = arith.constant 14336 : i32
      %add3A_238 = arith.addi %add3A_237, %mul3A_236 : i32
      %get3A_239 = arith.index_cast %add3A_238 : i32 to index
      %get3A_240 = tpu.vector_load %arg8[%get3A_239] {strides = array<i32>} : memref<16384xf32, #tpu.memory_space<vmem>>, vector<16xf32>,
      %add3A_241 = arith.addf %add3A_227, %get3A_240 : vector<16xf32>
      %mul3A_242 = arith.constant 16 : i32
      %mul3A_243 = arith.muli %scan3A_39, %mul3A_242 : i32
      %add3A_244 = arith.constant 14336 : i32
      %add3A_245 = arith.addi %add3A_244, %mul3A_243 : i32
      %get3A_246 = arith.index_cast %add3A_245 : i32 to index
      %get3A_247 = tpu.vector_load %arg9[%get3A_246] {strides = array<i32>} : memref<16384xf32, #tpu.memory_space<vmem>>, vector<16xf32>,
      %add3A_248 = arith.addf %add3A_234, %get3A_247 : vector<16xf32>
      %mul3A_249 = arith.constant 16 : i32
      %mul3A_250 = arith.muli %scan3A_39, %mul3A_249 : i32
      %add3A_251 = arith.constant 15360 : i32
      %add3A_252 = arith.addi %add3A_251, %mul3A_250 : i32
      %get3A_253 = arith.index_cast %add3A_252 : i32 to index
      %get3A_254 = tpu.vector_load %arg8[%get3A_253] {strides = array<i32>} : memref<16384xf32, #tpu.memory_space<vmem>>, vector<16xf32>,
      %add3A_255 = arith.addf %add3A_241, %get3A_254 : vector<16xf32>
      %mul3A_256 = arith.constant 16 : i32
      %mul3A_257 = arith.muli %scan3A_39, %mul3A_256 : i32
      %add3A_258 = arith.constant 15360 : i32
      %add3A_259 = arith.addi %add3A_258, %mul3A_257 : i32
      %get3A_260 = arith.index_cast %add3A_259 : i32 to index
      %get3A_261 = tpu.vector_load %arg9[%get3A_260] {strides = array<i32>} : memref<16384xf32, #tpu.memory_space<vmem>>, vector<16xf32>,
      %add3A_262 = arith.addf %add3A_248, %get3A_261 : vector<16xf32>
      %mul3A_263 = arith.constant 16 : i32
      %mul3A_264 = arith.muli %scan3A_39, %mul3A_263 : i32
      %swap3A = arith.constant 0 : i32
      %swap3A_265 = arith.index_cast %swap3A : i32 to index
      %swap3A_266 = arith.index_cast %mul3A_264 : i32 to index
      %swap3A_267 = tpu.vector_load %arg10[%swap3A_265, %swap3A_266] {strides = array<i32>} : memref<1x1024xf32, #tpu.memory_space<vmem>>, vector<16xf32>,
      tpu.vector_store %arg10[%swap3A_265, %swap3A_266], %add3A_255 {strides = array<i32>} : memref<1x1024xf32, #tpu.memory_space<vmem>>, vector<16xf32>,
      %mul3A_268 = arith.constant 16 : i32
      %mul3A_269 = arith.muli %scan3A_39, %mul3A_268 : i32
      %swap3A_270 = arith.constant 0 : i32
      %swap3A_271 = arith.index_cast %swap3A_270 : i32 to index
      %swap3A_272 = arith.index_cast %mul3A_269 : i32 to index
      %swap3A_273 = tpu.vector_load %arg11[%swap3A_271, %swap3A_272] {strides = array<i32>} : memref<1x1024xf32, #tpu.memory_space<vmem>>, vector<16xf32>,
      tpu.vector_store %arg11[%swap3A_271, %swap3A_272], %add3A_262 {strides = array<i32>} : memref<1x1024xf32, #tpu.memory_space<vmem>>, vector<16xf32>,
      %scan3A_274 = arith.constant 0 : i32
      scf.yield %scan3A_274 : i32
    }
    %scan3A_30 = arith.constant 64 : i32
    %barrier3A = arith.constant 0 : index
    tpu.barrier barrier_id(%barrier3A)
    "tpu.region"() ({
      %run_scoped3A = tpu.sem_alloc : memref<!tpu.dma_semaphore, #tpu.memory_space<semaphore_mem>>
      %dma_start3A = arith.constant 0 : i32
      %dma_start3A_39 = arith.constant 0 : i32
      %dma_start3A_40 = tpu.memref_slice %arg17[%dma_start3A, %dma_start3A_39] : memref<1x1024xf32, #tpu.memory_space<vmem_shared>> -> memref<1x1024xf32, #tpu.memory_space<vmem_shared>>
      tpu.enqueue_indirect_dma source(%arg10 : memref<1x1024xf32, #tpu.memory_space<vmem>>) target(%dma_start3A_40 : memref<1x1024xf32, #tpu.memory_space<vmem_shared>>) offsets(%arg16 : memref<1xi32, #tpu.memory_space<vmem>>) semaphore(%run_scoped3A : memref<!tpu.dma_semaphore, #tpu.memory_space<semaphore_mem>>) {add = true}
      %dma_wait3A = arith.constant 0 : i32
      %dma_wait3A_41 = arith.constant 0 : i32
      %dma_wait3A_42 = tpu.memref_slice %arg17[%dma_wait3A, %dma_wait3A_41] : memref<1x1024xf32, #tpu.memory_space<vmem_shared>> -> memref<1x1024xf32, #tpu.memory_space<vmem_shared>>
      tpu.wait_indirect_dma semaphore(%run_scoped3A : memref<!tpu.dma_semaphore, #tpu.memory_space<semaphore_mem>>) src(%arg10 : memref<1x1024xf32, #tpu.memory_space<vmem>>) dst(%dma_wait3A_42 : memref<1x1024xf32, #tpu.memory_space<vmem_shared>>)
      tpu.yield
    }) : () -> ()
    "tpu.region"() ({
      %run_scoped3A = tpu.sem_alloc : memref<!tpu.dma_semaphore, #tpu.memory_space<semaphore_mem>>
      %dma_start3A = arith.constant 0 : i32
      %dma_start3A_39 = arith.constant 0 : i32
      %dma_start3A_40 = tpu.memref_slice %arg18[%dma_start3A, %dma_start3A_39] : memref<1x1024xf32, #tpu.memory_space<vmem_shared>> -> memref<1x1024xf32, #tpu.memory_space<vmem_shared>>
      tpu.enqueue_indirect_dma source(%arg11 : memref<1x1024xf32, #tpu.memory_space<vmem>>) target(%dma_start3A_40 : memref<1x1024xf32, #tpu.memory_space<vmem_shared>>) offsets(%arg16 : memref<1xi32, #tpu.memory_space<vmem>>) semaphore(%run_scoped3A : memref<!tpu.dma_semaphore, #tpu.memory_space<semaphore_mem>>) {add = true}
      %dma_wait3A = arith.constant 0 : i32
      %dma_wait3A_41 = arith.constant 0 : i32
      %dma_wait3A_42 = tpu.memref_slice %arg18[%dma_wait3A, %dma_wait3A_41] : memref<1x1024xf32, #tpu.memory_space<vmem_shared>> -> memref<1x1024xf32, #tpu.memory_space<vmem_shared>>
      tpu.wait_indirect_dma semaphore(%run_scoped3A : memref<!tpu.dma_semaphore, #tpu.memory_space<semaphore_mem>>) src(%arg11 : memref<1x1024xf32, #tpu.memory_space<vmem>>) dst(%dma_wait3A_42 : memref<1x1024xf32, #tpu.memory_space<vmem_shared>>)
      tpu.yield
    }) : () -> ()
    %barrier3A_31 = arith.constant 0 : index
    tpu.barrier barrier_id(%barrier3A_31)
    %eq3A_32 = arith.constant 0 : i32
    %eq3A_33 = arith.cmpi eq, %arg0, %eq3A_32 : i32
    %eq3A_34 = arith.constant 0 : i32
    %eq3A_35 = arith.cmpi eq, %arg1, %eq3A_34 : i32
    %and3A = arith.andi %eq3A_33, %eq3A_35 : i1
    %convert_element_type3A_36 = arith.extui %and3A : i1 to i32
    %cond3A_37 = arith.constant 0 : i32
    %cond3A_38 = arith.cmpi ne, %convert_element_type3A_36, %cond3A_37 : i32
    scf.if %cond3A_38 {
      "tpu.region"() ({
        %run_scoped3A = tpu.sem_alloc : memref<!tpu.dma_semaphore, #tpu.memory_space<semaphore_mem>>
        tpu.enqueue_dma source(%arg17 : memref<1x1024xf32, #tpu.memory_space<vmem_shared>>) target(%arg13 : memref<1x1024xf32, #tpu.memory_space<vmem>>) target_semaphore(%run_scoped3A : memref<!tpu.dma_semaphore, #tpu.memory_space<semaphore_mem>>)
        tpu.wait_dma2 semaphore(%run_scoped3A : memref<!tpu.dma_semaphore, #tpu.memory_space<semaphore_mem>>) src(%arg17 : memref<1x1024xf32, #tpu.memory_space<vmem_shared>>) dst(%arg13 : memref<1x1024xf32, #tpu.memory_space<vmem>>)
        tpu.yield
      }) : () -> ()
      "tpu.region"() ({
        %run_scoped3A = tpu.sem_alloc : memref<!tpu.dma_semaphore, #tpu.memory_space<semaphore_mem>>
        tpu.enqueue_dma source(%arg18 : memref<1x1024xf32, #tpu.memory_space<vmem_shared>>) target(%arg14 : memref<1x1024xf32, #tpu.memory_space<vmem>>) target_semaphore(%run_scoped3A : memref<!tpu.dma_semaphore, #tpu.memory_space<semaphore_mem>>)
        tpu.wait_dma2 semaphore(%run_scoped3A : memref<!tpu.dma_semaphore, #tpu.memory_space<semaphore_mem>>) src(%arg18 : memref<1x1024xf32, #tpu.memory_space<vmem_shared>>) dst(%arg14 : memref<1x1024xf32, #tpu.memory_space<vmem>>)
        tpu.yield
      }) : () -> ()
      %scan3A_39 = arith.constant 0 : i32
      %scan3A_40 = arith.constant 64 : i32
      %scan3A_41 = arith.addi %scan3A_39, %scan3A_40 : i32
      %scan3A_42 = arith.constant 1 : i32
      %scan3A_43 = scf.for %scan3A_53 = %scan3A_39 to %scan3A_41 step %scan3A_42 iter_args(%scan3A_54 = %broadcast_in_dim3A_3) -> (vector<16xf32>)  : i32 {
        %mul3A_55 = arith.constant 16 : i32
        %mul3A_56 = arith.muli %scan3A_53, %mul3A_55 : i32
        %get3A = arith.constant 0 : i32
        %get3A_57 = arith.index_cast %get3A : i32 to index
        %get3A_58 = arith.index_cast %mul3A_56 : i32 to index
        %get3A_59 = tpu.vector_load %arg13[%get3A_57, %get3A_58] {strides = array<i32>} : memref<1x1024xf32, #tpu.memory_space<vmem>>, vector<16xf32>,
        %mul3A_60 = arith.constant 16 : i32
        %mul3A_61 = arith.muli %scan3A_53, %mul3A_60 : i32
        %get3A_62 = arith.constant 0 : i32
        %get3A_63 = arith.index_cast %get3A_62 : i32 to index
        %get3A_64 = arith.index_cast %mul3A_61 : i32 to index
        %get3A_65 = tpu.vector_load %arg14[%get3A_63, %get3A_64] {strides = array<i32>} : memref<1x1024xf32, #tpu.memory_space<vmem>>, vector<16xf32>,
        %gt3A = arith.constant 0.000000e+00 : f32
        %gt3A_66 = vector.broadcast %gt3A : f32 to vector<16xf32>
        %gt3A_67 = arith.cmpf ogt, %get3A_59, %gt3A_66 : vector<16xf32>
        %jit3A = arith.constant 1.000000e+00 : f32
        %broadcast_in_dim3A_68 = vector.broadcast %jit3A : f32 to vector<16xf32>
        %select_n3A = arith.select %gt3A_67, %get3A_59, %broadcast_in_dim3A_68 : vector<16xi1>, vector<16xf32>
        %gt3A_69 = arith.constant 0.000000e+00 : f32
        %gt3A_70 = vector.broadcast %gt3A_69 : f32 to vector<16xf32>
        %gt3A_71 = arith.cmpf ogt, %get3A_59, %gt3A_70 : vector<16xf32>
        %div3A = arith.divf %get3A_65, %select_n3A : vector<16xf32>
        %jit3A_72 = arith.constant 0.000000e+00 : f32
        %broadcast_in_dim3A_73 = vector.broadcast %jit3A_72 : f32 to vector<16xf32>
        %select_n3A_74 = arith.select %gt3A_71, %div3A, %broadcast_in_dim3A_73 : vector<16xi1>, vector<16xf32>
        %add3A = arith.addf %scan3A_54, %select_n3A_74 : vector<16xf32>
        scf.yield %add3A : vector<16xf32>
      }
      %scan3A_44 = arith.constant 64 : i32
      %reduce_sum3A = arith.constant true
      %reduce_sum3A_45 = vector.broadcast %reduce_sum3A : i1 to vector<16xi1>
      %reduce_sum3A_46 = tpu.scan <sum>, %scan3A_43 masked %reduce_sum3A_45 : vector<16xf32>, vector<16xi1> -> vector<16xf32>
      %reduce_sum3A_47 = vector.extract %reduce_sum3A_46[15] : f32 from vector<16xf32>
      %broadcast_in_dim3A_48 = vector.broadcast %reduce_sum3A_47 : f32 to vector<16xf32>
      %mul3A_49 = arith.constant 1.000000e-03 : f32
      %mul3A_50 = vector.broadcast %mul3A_49 : f32 to vector<16xf32>
      %mul3A_51 = arith.mulf %broadcast_in_dim3A_48, %mul3A_50 : vector<16xf32>
      %swap3A = arith.constant 0 : index
      %swap3A_52 = tpu.vector_load %arg15[%swap3A] {strides = array<i32>} : memref<16xf32, #tpu.memory_space<vmem>>, vector<16xf32>,
      tpu.vector_store %arg15[%swap3A], %mul3A_51 {strides = array<i32>} : memref<16xf32, #tpu.memory_space<vmem>>, vector<16xf32>,
      "tpu.region"() ({
        %run_scoped3A = tpu.sem_alloc : memref<!tpu.dma_semaphore, #tpu.memory_space<semaphore_mem>>
        tpu.enqueue_dma source(%arg15 : memref<16xf32, #tpu.memory_space<vmem>>) target(%arg5 : memref<16xf32, #tpu.memory_space<hbm>>) target_semaphore(%run_scoped3A : memref<!tpu.dma_semaphore, #tpu.memory_space<semaphore_mem>>)
        tpu.wait_dma2 semaphore(%run_scoped3A : memref<!tpu.dma_semaphore, #tpu.memory_space<semaphore_mem>>) src(%arg15 : memref<16xf32, #tpu.memory_space<vmem>>) dst(%arg5 : memref<16xf32, #tpu.memory_space<hbm>>)
        tpu.yield
      }) : () -> ()
    } else {
    }
    return
  }
}

module attributes {stable_mosaic.version = 14 : i64} {
  func.func @_argmax_body(%arg0: i32, %arg1: memref<2048x1000xf32, #tpu.memory_space<vmem>>, %arg2: memref<16x128xi32, #tpu.memory_space<vmem>>) attributes {dimension_semantics = [#tpu.dimension_semantics<arbitrary>], iteration_bounds = array<i64: 8>, scalar_prefetch = 0 : i64, scratch_operands = 0 : i64, tpu.core_type = #tpu.core_type<tc>, window_params = [{transform_indices = @transform_0, window_bounds = array<i64: 2048, 1000>}, {transform_indices = @transform_1, window_bounds = array<i64: 16, 128>}]} {
    %get3A = arith.constant 0 : index
    %get3A_0 = arith.constant 0 : index
    %get3A_1 = vector.load %arg1[%get3A, %get3A_0] : memref<2048x1000xf32, #tpu.memory_space<vmem>>, vector<2048x1000xf32>
    %reduce_max3A = arith.constant dense<0xFF800000> : vector<2048xf32>
    %reduce_max3A_2 = vector.multi_reduction <maximumf>, %get3A_1, %reduce_max3A [1] : vector<2048x1000xf32> to vector<2048xf32>
    %broadcast_in_dim3A = vector.shape_cast %reduce_max3A_2 : vector<2048xf32> to vector<2048x1xf32>
    %iota3A = tpu.iota {dimensions = array<i32: 1>} : vector<2048x1000xi32>
    %eq3A = vector.broadcast %broadcast_in_dim3A : vector<2048x1xf32> to vector<2048x1000xf32>
    %eq3A_3 = arith.cmpf oeq, %get3A_1, %eq3A : vector<2048x1000xf32>
    %jit3A = arith.constant 1000 : i32
    %broadcast_in_dim3A_4 = vector.broadcast %jit3A : i32 to vector<2048x1000xi32>
    %select_n3A = arith.select %eq3A_3, %iota3A, %broadcast_in_dim3A_4 : vector<2048x1000xi1>, vector<2048x1000xi32>
    %reduce_min3A = arith.constant dense<2147483647> : vector<2048xi32>
    %reduce_min3A_5 = vector.multi_reduction <minsi>, %select_n3A, %reduce_min3A [1] : vector<2048x1000xi32> to vector<2048xi32>
    %reshape3A = vector.shape_cast %reduce_min3A_5 : vector<2048xi32> to vector<16x128xi32>
    %swap3A = arith.constant 0 : index
    %swap3A_6 = arith.constant 0 : index
    %swap3A_7 = vector.load %arg2[%swap3A, %swap3A_6] : memref<16x128xi32, #tpu.memory_space<vmem>>, vector<16x128xi32>
    tpu.vector_store %arg2[%swap3A, %swap3A_6], %reshape3A {strides = array<i32>} : memref<16x128xi32, #tpu.memory_space<vmem>>, vector<16x128xi32>,
    return
  }
  func.func @transform_0(%arg0: i32) -> (i32, i32) {
    %c0_i32 = arith.constant 0 : i32
    %c0_i32_0 = arith.constant 0 : i32
    return %arg0, %c0_i32 : i32, i32
  }
  func.func @transform_1(%arg0: i32) -> (i32, i32) {
    %c0_i32 = arith.constant 0 : i32
    %c0_i32_0 = arith.constant 0 : i32
    return %arg0, %c0_i32 : i32, i32
  }
}

</mosaic_0001>

<sc_bundles>
// kernel: kernel.4.cloned.1.call-start
scs
__scs_entry_jumppad:
0x0: {  	(pc) =	sbr.rel $0x88, $3  }
0x1: {  	(tag) =	ssettag $0x0;
	lr =	simm.s32 $0x1  }
0x2: {  	[smem:$0x3F9F] =	sst lr;
	_ =	strace $0xD0000000  }
0x3: {  	_ = 	snop  }
0x4: {  	_ = 	snop  }
0x5: {  	_ = 	snop  }
0x6: {  	_ = 	snop  }
0x7: {  	_ = 	snop  }
__scs_overlays_trampoline_lowered:
0x8: {  	[smem:$0x3FAE] =	sst s0  }
0x9: {  	[smem:$0x3FAF] =	sst s1  }
0xa: {  	[smem:$0x3FB0] =	sst s2  }
0xb: {  	[smem:$0x3FB1] =	sst s3  }
0xc: {  	[smem:$0x3FB2] =	sst s4  }
0xd: {  	[smem:$0x3FB3] =	sst s5  }
0xe: {  	[smem:$0x3FB4] =	sst s6  }
0xf: {  	[smem:$0x3FB5] =	sst s7  }
0x10: {  	[smem:$0x3FB6] =	sst s8  }
0x11: {  	[smem:$0x3FB7] =	sst s9;
	s0 =	simm.s32 @!p0 $0x0  }
0x12: {  	s1 =	sld [smem:$0x3F9D];
	s0 =	simm.s32 @p0 $0x1  }
0x13: {  	[smem:$0x3FB8] =	sst s0;
	s0 =	simm.s32 @!p1 $0x0  }
0x14: {  	s2 =	sld [smem:$0x3F9C];
	s0 =	simm.s32 @p1 $0x1  }
0x15: {  	[smem:$0x3FB9] =	sst s0;
	s0 =	simm.s32 @!p2 $0x0  }
0x16: {  	s3 =	sld [smem:$0x3FDB];
	s0 =	simm.s32 @p2 $0x1  }
0x17: {  	s4 =	simm.s32 $0x1BF5;
	[smem:$0x3FBB] =	sst s0  }
0x18: {  	s0 =	sld [smem:$0x3F9E];
	_ =	swait.ge [sflag:s4], $0x0  }
0x19: {  	s7 =	sld [smem:$0x3F9F]  }
0x1a: {  	s8 =	sadd.s32 $0xFFFFE003, lr  }
0x1b: {  	s9 =	sadd.s32 $0xFFFFFEF7, lr;
	s5 =	simm.s32 $0xFFFFFFFF;
	p2 =	slt.u32 s8, $0xFFFFF086  }
0x1c: {  	p1 =	slt.u32 s9, $0xF7A;
	s5 =	simm.s32 @!p2 $0x0  }
0x1d: {  	s5 =	simm.s32 @p1 $0x1;
	p0 =	seq.s32 s7, s2  }
0x1e: {  	s7 =	smul.u32 @!p0 $0xF7A, s2;
	p2 =	seq.s32 @!p0 s5, $0x0  }
0x1f: {  	s9 =	smul.u32 $0xF7A, s1;
	s8 =	simm.s32 @!p0 $0x1BF5;
	p2 =	por !p2, p0  }
0x20: {  	[sflag:s8] =	ssyncset.s32 @!p0 $0xFFFFF086;
	s6 =	sadd.s32 @!p0 s3, s7;
	s7 =	simm.s32 @!p0 $0x108  }
0x21: {  	s3 =	sadd.s32 s3, s9;
	s6 =	sadd.s32 @!p0 $0x88, s6;
	s7 =	simm.s32 @p2 $0x1082  }
0x22: {  	[simem:s7], [sflag:s8] =	dma.local @!p0 [hbm:s6], $0xF7A  }
0x23: {  	s9 =	sor.u32 $0xD0000000, s2;
	s6 =	simm.s32 $0x108;
	_ =	swait.ge @!p0 [sflag:s8], $0x0  }
0x24: {  	s3 =	sadd.s32 $0x88, s3;
	s6 =	simm.s32 @!p1 $0x1082;
	[sflag:s4] =	ssyncset.s32 $0xFFFFF086  }
0x25: {  	[simem:s6], [sflag:s4] =	dma.local [hbm:s3], $0xF7A  }
0x26: {  	[smem:$0x3F9F] =	sst s1;
	(tag) =	ssettag s2;
	_ =	strace s9  }
0x27: {  	s1 =	sld [smem:$0x3FAF]  }
0x28: {  	s2 =	sld [smem:$0x3FB0]  }
0x29: {  	s4 =	sld [smem:$0x3FB2]  }
0x2a: {  	p0 =	seq.s32 s5, $0x0;
	s5 =	sld [smem:$0x3FB3]  }
0x2b: {  	s6 =	sld [smem:$0x3FB4]  }
0x2c: {  	s7 =	sld [smem:$0x3FB5]  }
0x2d: {  	s3 =	simm.s32 $0x108;
	s8 =	sld [smem:$0x3FB6]  }
0x2e: {  	s3 =	simm.s32 @!p0 $0x1082;
	s9 =	sld [smem:$0x3FB7]  }
0x2f: {  	lr =	sadd.s32 s0, s3;
	s0 =	sld [smem:$0x3FAE]  }
0x30: {  	s3 =	sld [smem:$0x3FB1]  }
0x31: {  	[smem:$0x3FBA] =	sst s10  }
0x32: {  	s10 =	sld [smem:$0x3FB8];
	_ =	sdelay $0x3  }
0x33: {  	p0 =	seq.s32 s10, $0x1;
	s10 =	sld [smem:$0x3FBA];
	_ =	sdelay $0x3  }
0x34: {  	[smem:$0x3FBA] =	sst s10  }
0x35: {  	s10 =	sld [smem:$0x3FB9];
	_ =	sdelay $0x3  }
0x36: {  	p1 =	seq.s32 s10, $0x1;
	s10 =	sld [smem:$0x3FBA];
	_ =	sdelay $0x3  }
0x37: {  	[smem:$0x3FBA] =	sst s10  }
0x38: {  	s10 =	sld [smem:$0x3FBB]  }
0x39: {  	_ = 	snop;
	(pc) =	sbr.ind lr, $3  }
0x3a: {  	_ = 	snop  }
0x3b: {  	_ = 	snop  }
0x3c: {  	p2 =	seq.s32 s10, $0x1;
	s10 =	sld [smem:$0x3FBA]  }
0x3d: {  	_ =	shalt  }
0x3e: {  	_ =	shalt  }
0x3f: {  	_ =	shalt  }
0x40: {  	_ =	shalt  }
0x41: {  	_ =	shalt  }
0x42: {  	_ =	shalt  }
0x43: {  	_ =	shalt  }
0x44: {  	_ =	shalt  }
0x45: {  	_ =	shalt  }
0x46: {  	_ =	shalt  }
0x47: {  	_ =	shalt  }
0x48: {  	_ =	shalt  }
0x49: {  	_ =	shalt  }
0x4a: {  	_ =	shalt  }
0x4b: {  	_ =	shalt  }
0x4c: {  	_ =	shalt  }
0x4d: {  	_ =	shalt  }
0x4e: {  	_ =	shalt  }
0x4f: {  	_ =	shalt  }
0x50: {  	_ =	shalt  }
0x51: {  	_ =	shalt  }
0x52: {  	_ =	shalt  }
0x53: {  	_ =	shalt  }
0x54: {  	_ =	shalt  }
0x55: {  	_ =	shalt  }
0x56: {  	_ =	shalt  }
0x57: {  	_ =	shalt  }
0x58: {  	_ =	shalt  }
0x59: {  	_ =	shalt  }
0x5a: {  	_ =	shalt  }
0x5b: {  	_ =	shalt  }
0x5c: {  	_ =	shalt  }
0x5d: {  	_ =	shalt  }
0x5e: {  	_ =	shalt  }
0x5f: {  	_ =	shalt  }
0x60: {  	_ =	shalt  }
0x61: {  	_ =	shalt  }
0x62: {  	_ =	shalt  }
0x63: {  	_ =	shalt  }
0x64: {  	_ =	shalt  }
0x65: {  	_ =	shalt  }
0x66: {  	_ =	shalt  }
0x67: {  	_ =	shalt  }
0x68: {  	_ =	shalt  }
0x69: {  	_ =	shalt  }
0x6a: {  	_ =	shalt  }
0x6b: {  	_ =	shalt  }
0x6c: {  	_ =	shalt  }
0x6d: {  	_ =	shalt  }
0x6e: {  	_ =	shalt  }
0x6f: {  	_ =	shalt  }
0x70: {  	_ =	shalt  }
0x71: {  	_ =	shalt  }
0x72: {  	_ =	shalt  }
0x73: {  	_ =	shalt  }
0x74: {  	_ =	shalt  }
0x75: {  	_ =	shalt  }
0x76: {  	_ =	shalt  }
0x77: {  	_ =	shalt  }
0x78: {  	_ =	shalt  }
0x79: {  	_ =	shalt  }
0x7a: {  	_ =	shalt  }
0x7b: {  	_ =	shalt  }
0x7c: {  	_ =	shalt  }
0x7d: {  	_ =	shalt  }
0x7e: {  	_ =	shalt  }
0x7f: {  	_ =	shalt  }
0x80: {  	_ =	shalt  }
0x81: {  	_ =	shalt  }
0x82: {  	_ =	shalt  }
0x83: {  	_ =	shalt  }
0x84: {  	_ =	shalt  }
0x85: {  	_ =	shalt  }
0x86: {  	_ =	shalt  }
0x87: {  	_ =	shalt  }
.Lfunc_end0:
.L_simem_size_0:
called_computation_lowered:
.L_overlay_start_0:
0x88: {  	s2 =	sld [smem:$0x3FD9]  }
0x89: {  	s3 =	sld [smem:$0x3FFE];
	_ =	sdelay $0x1  }
0x8a: {  	s1 =	srdreg.scid  }
0x8b: {  	s0 =	sand.u32 $0x1, s1  }
0x8c: {  	s17 =	sshll.u32 s0, $0xA;
	s2 =	sadd.s32 s3, s2  }
0x8d: {  	s2 =	sadd.s32 s2, s17  }
0x8e: {  	[smem:$0x3FC6] =	sst s2  }
0x8f: {  	_ = 	snop  }
0x90: {  	s2 =	sld [smem:$0x3FC8]  }
0x91: {  	s18 =	sld [smem:$0x3FD0];
	(tm) =	ssettm $0x1  }
0x92: {  	s4 =	sld [smem:$0x3FFB];
	_ =	sdelay $0x3  }
0x93: {  	_ =	strace s4  }
0x94: {  	s4 =	sld [smem:$0x3FFC];
	_ =	sdelay $0x3  }
0x95: {  	_ =	strace s4  }
0x96: {  	s4 =	sld [smem:$0x3FFD];
	_ =	sdelay $0x3  }
0x97: {  	_ =	strace s4  }
0x98: {  	_ =	strace $0x8FFFFFFF  }
0x99: {  	s19 =	sld [smem:$0x3FDB];
	_ =	sdelay $0x1  }
0x9a: {  	s5 =	simm.s32 $_scs_section_size  }
0x9b: {  	s6 =	simm.s32 $_size__tile_overlayer_lowered;
	s7 =	simm.s32 $_tile_overlayer_lowered  }
0x9c: {  	s22 =	simm.s32 $0x1BFF;
	s21 =	sshll.u32 s7, $0x1;
	s4 =	sadd.s32 s5, s19  }
0x9d: {  	s8 =	simm.s32 $0x0;
	s20 =	sshll.u32 s6, $0x1;
	s6 =	sadd.s32 s21, s4  }
0x9e: {  	[timem:s8], [sflag:s22] =	dma.local [hbm:s6], s20  }
0x9f: {  	_ =	swait.ge [sflag:s22], s20  }
0xa0: {  	s5 =	ssub.s32 $0x0, s20;
	[sflag:s22] =	ssyncset.done $0x0  }
0xa1: {  	[sflag:s22] =	ssyncadd.s32 s5;
	_ =	sdelay $0x1  }
0xa2: {  	s23 =	simm.s32 $0x1B8B  }
0xa3: {  	_ =	swait.ge [sflag:s23], $0x1  }
0xa4: {  	[sflag:s23] =	ssyncset.done $0x0  }
0xa5: {  	s25 =	simm.s32 $0x1B8E;
	s24 =	sld [smem:$0x3FFE];
	[sflag:s23] =	ssyncadd.s32 $0xFFFFFFFF  }
0xa6: {  	s26 =	simm.s32 $execute0_lowered;
	[smem:$0x3FD2] =	sst s25  }
0xa7: {  	s6 =	sshll.u32 s26, $0x1;
	_ =	strace $0x80000046;
	[dreg:$0x1] =	wrdreg $0xFFFFFFFF  }
0xa8: {  	s28 =	simm.s32 $_size_execute0_lowered;
	s4 =	sadd.s32 s4, s6;
	[dreg:$0x0] =	wrdreg $0x0  }
0xa9: {  	s6 =	sshll.u32 s28, $0x1;
	[dreg:$0x2] =	wrdreg s4  }
0xaa: {  	[dreg:$0x3] =	wrdreg s6  }
0xab: {  	[dreg:$0x4] =	wrdreg $0xC0  }
0xac: {  	_ =	task [dreg:s8], $0x5FFFF  }
0xad: {  	[dreg:$0x1] =	wrdreg $0xFFFFFFFF  }
0xae: {  	[dreg:$0x0] =	wrdreg $0x60  }
0xaf: {  	[dreg:$0x2] =	wrdreg s24  }
0xb0: {  	[dreg:$0x3] =	wrdreg s2  }
0xb1: {  	[dreg:$0x4] =	wrdreg s18  }
0xb2: {  	[dreg:$0x5] =	wrdreg $0x9D000  }
0xb3: {  	[dreg:$0x6] =	wrdreg $0x9D400  }
0xb4: {  	[dreg:$0x7] =	wrdreg $0x9  }
0xb5: {  	_ =	task.clear_ibuf [dreg:s8], $0x8FFFF;
	_ =	strace $0x90000046  }
0xb6: {  	s29 =	simm.s32 $0x9;
	_ =	strace $0x80000048  }
0xb7: {  	_ =	swait.ge [sflag:s29], $0x1  }
0xb8: {  	[sflag:s29] =	ssyncadd.s32 $0xFFFFFFFF  }
0xb9: {  	_ =	strace $0x90000048  }
0xba: {  	_ =	sfence  }
0xbb: {  	s30 =	sld [smem:$0x0];
	_ =	sdelay $0x2  }
0xbc: {  	s31 =	sshll.u32 s1, $0xD;
	s1 =	sshrl.u32 s1, $0x2  }
0xbd: {  	s3 =	sand.u32 $0x4000, s31;
	s1 =	sadd.s32 s1, s30  }
0xbe: {  	s0 =	sor.u32 s3, s0;
	s1 =	sshll.u32 s1, $0x11  }
0xbf: {  	s0 =	sor.u32 s1, s0  }
0xc0: {  	s0 =	sadd.s32 $0x8F2B, s0  }
0xc1: {  	[sflag:s0] =	ssyncadd.remote.s32 $0x1  }
0xc2: {  	_ =	sfence.sel $0xFFFF  }
0xc3: {  	[dreg:$0x0] =	wrdreg $0xFFFFFFFF;
	(pc) =	sbr.abs _section_cstart, $3  }
0xc4: {  	[dreg:$0x1] =	wrdreg $0xFFFFFFFF  }
0xc5: {  	_ =	task.clear_ibuf [dreg:s8], $0x2FFFF;
	_ =	strace $0x9FFFFFFF  }
0xc6: {  	(tm) =	ssettm $0x7FFFFFFF  }
0xc7: {  	_ =	shalt  }
tec
execute0_lowered:
.L_overlay_start_1:
0x0: {  	(tag) =	ssettag $0x1  }
0x1: {  	s5 =	rddreg [dreg:$0x0]  }
0x2: {  	s7 =	rddreg [dreg:$0x1]  }
0x3: {  	s1 =	rddreg [dreg:$0x2]  }
0x4: {  	s2 =	rddreg [dreg:$0x3]  }
0x5: {  	s3 =	rddreg [dreg:$0x4]  }
0x6: {  	s6 =	srdreg.scid;
	s0 =	rddreg [dreg:$0x5]  }
0x7: {  	s4 =	simm.s32 $0x0;
	s12 =	stileid.u32;
	s13 =	simm.s32 $0x800  }
0x8: {  	s14 =	simm.s32 $0x4800;
	s16 =	simm.s32 $0x8C00;
	s17 =	simm.s32 $0x9400  }
0x9: {  	s18 =	simm.s32 $0x9800;
	s19 =	simm.s32 $0x9C00;
	s20 =	simm.s32 $0x0  }
0xa: {  	s8 =	sand.u32 $0x1, s6;
	[smem:$0x7FF] =	sst s4;
	s9 =	sshll.u32 s12, $0x7  }
0xb: {  	p0 =	sne.s32 s12, $0x0;
	s6 =	ssub.s32 $0x2, s8;
	_ =	strace $0x80000047  }
.Ltmp0:
0xc: {  	s11 =	sadd.s32 s9, s5;
	s5 =	sadd.s32 $0xE00, s5;
	(pc) =	sbr.rel .LBB2_1-.Ltmp0, $4  }
0xd: {  	s7 =	sadd.s32 s7, s9;
	s15 =	sor.u32 s12, s8;
	s9 =	simm.s32 $0x9C80  }
0xe: {  	s12 =	simm.s32 $0x9000;
	s10 =	sshrl.u32 s6, $0x1;
	p1 =	sne.s32 s15, $0x0  }
0xf: {  	v2 =	vlaneseq.u32;
	s15 =	simm.s32 $0x8800;
	s10 =	ssub.s32 s6, s10;
	s6 =	sadd.s32 $0x600, s11  }
0x10: {  	v0 =	vimm.f32 $0.0e+00;
	v1 =	vimm.f32 $1.000000000e+00;
	v2 =	vmul.u32 $0x400, v2;
	s11 =	simm.s32 $0x400;
	s8 =	smax.u32 s10, $0x1;
	s10 =	simm.s32 $0x1  }
.LBB2_12:
0x11: {  	vm2 =	vgt.f32 v5, $0.0e+00  }
0x12: {  	v5 =	vnsel vm2, $0x3F800000, v5  }
0x13: {  	(erf) = vrcp.f32 v5;
	_ =	sdelay $0x2  }
0x14: {  	v61 =	vld [tilespmem:s21+$0x9800];
	_ =	sdelay $0x1  }
0x15: {  	v7 =	vld [tilespmem:s22+$0x9800]  }
0x16: {  	v4 =	vmul.f32 v6, v4  }
0x17: {  	v62 =	vpop (erf)  }
0x18: {  	v4 =	vnsel vm0, $0x0, v4;
	v5 =	vmul.f32 v62, v61  }
0x19: {  	vm13 =	vmmov vm1;
	v3 =	vadd.f32 v4, v3;
	v63 =	vpop (erf)  }
0x1a: {  	vm14 =	vmmov vm2;
	v5 =	vnsel vm13, $0x0, v5;
	v4 =	vmul.f32 v63, v7  }
0x1b: {  	vm15 =	vmmov vm14;
	v3 =	vadd.f32 v5, v3  }
0x1c: {  	v4 =	vnsel vm15, $0x0, v4  }
0x1d: {  	v3 =	vadd.f32 v4, v3;
	_ =	sdelay $0x1  }
0x1e: {  	(xrf2) =	vadd.scan.msk.f32 $0xffff, v3;
	_ =	sdelay $0x9  }
0x1f: {  	v3, _, _ =	vpop (xrf2)  }
0x20: {  	v3 =	vmul.f32 $1.000000050e-03, v3;
	_ =	sdelay $0x1  }
0x21: {  	v3 =	vbroadcast v3, $0xF;
	_ =	sdelay $0x1  }
0x22: {  	[tilespmem:$0x9C00] =	vst v3  }
0x23: {  	[hbm4b:s1+s4] =	stream.linear.scatter [tilespmem:s19], [sflag:$0x1], $0x80, $0x38;
	[tilespmem:$0x9D80] =	vst v63  }
0x24: {  	_ =	swait.ge [sflag:s10], $0x80  }
0x25: {  	[sflag:s10] =	ssyncset.done $0x0  }
0x26: {  	[sflag:s10] =	ssyncadd.s32 $0xFFFFFF80  }
.LBB2_13:
0x27: {  	s20 =	sadd.s32 $0x1, s20  }
0x28: {  	p2 =	sne.s32 s20, s8  }
.Ltmp1:
0x29: {  	_ = 	snop;
	(pc) =	sbr.rel @!p2 .LBB2_14-.Ltmp1, $1  }
0x2a: {  	_ =	sdelay $0x3  }
.LBB2_1:
0x2b: {  	[tilespmem:s9], [sflag:$0x1] =	stream.linear.gather [hbm4b:s5+s4], $0x80, $0x38;
	[tilespmem:$0x9D80] =	vst v63  }
0x2c: {  	_ =	swait.ge [sflag:s10], $0x80  }
0x2d: {  	[sflag:s10] =	ssyncset.done $0x0  }
0x2e: {  	[sflag:s10] =	ssyncadd.s32 $0xFFFFFF80  }
0x2f: {  	[tilespmem:s4], [sflag:$0x1] =	stream.linear.gather [hbm4b:s6+s4], $0x400, $0x38;
	[tilespmem:$0x9D80] =	vst v63  }
0x30: {  	_ =	swait.ge [sflag:s10], $0x400  }
0x31: {  	[sflag:s10] =	ssyncset.done $0x0  }
0x32: {  	[sflag:s10] =	ssyncadd.s32 $0xFFFFFC00  }
0x33: {  	[tilespmem:s11], [sflag:$0x1] =	stream.linear.gather [hbm4b:s7+s4], $0x400, $0x38;
	[tilespmem:$0x9D80] =	vst v63  }
0x34: {  	_ =	swait.ge [sflag:s10], $0x400  }
0x35: {  	[sflag:s10] =	ssyncset.done $0x0  }
0x36: {  	s21 =	simm.s32 $0x0;
	s22 =	simm.s32 $0x400;
	[sflag:s10] =	ssyncadd.s32 $0xFFFFFC00  }
.LBB2_2:
0x37: {  	p2 =	sne.s32 s22, $0xFC00;
	[tilespmem:s21+$0x48F0] =	vst v0  }
0x38: {  	[tilespmem:s21+$0x800] =	vst v0  }
0x39: {  	[tilespmem:s21+$0x4800] =	vst v0  }
0x3a: {  	[tilespmem:s21+$0x810] =	vst v0  }
0x3b: {  	[tilespmem:s21+$0x4810] =	vst v0  }
0x3c: {  	[tilespmem:s21+$0x820] =	vst v0  }
0x3d: {  	[tilespmem:s21+$0x4820] =	vst v0  }
0x3e: {  	[tilespmem:s21+$0x830] =	vst v0  }
0x3f: {  	[tilespmem:s21+$0x4830] =	vst v0  }
0x40: {  	[tilespmem:s21+$0x840] =	vst v0  }
0x41: {  	[tilespmem:s21+$0x4840] =	vst v0  }
0x42: {  	[tilespmem:s21+$0x850] =	vst v0  }
0x43: {  	[tilespmem:s21+$0x4850] =	vst v0  }
0x44: {  	[tilespmem:s21+$0x860] =	vst v0  }
0x45: {  	[tilespmem:s21+$0x4860] =	vst v0  }
0x46: {  	[tilespmem:s21+$0x870] =	vst v0  }
0x47: {  	[tilespmem:s21+$0x4870] =	vst v0  }
0x48: {  	[tilespmem:s21+$0x880] =	vst v0  }
0x49: {  	[tilespmem:s21+$0x4880] =	vst v0  }
0x4a: {  	[tilespmem:s21+$0x890] =	vst v0  }
0x4b: {  	[tilespmem:s21+$0x4890] =	vst v0  }
0x4c: {  	[tilespmem:s21+$0x8A0] =	vst v0  }
0x4d: {  	[tilespmem:s21+$0x48A0] =	vst v0  }
0x4e: {  	[tilespmem:s21+$0x8B0] =	vst v0  }
0x4f: {  	[tilespmem:s21+$0x48B0] =	vst v0  }
0x50: {  	[tilespmem:s21+$0x8C0] =	vst v0  }
0x51: {  	[tilespmem:s21+$0x48C0] =	vst v0  }
.Ltmp2:
0x52: {  	[tilespmem:s21+$0x8D0] =	vst v0;
	(pc) =	sbr.rel @p2 .LBB2_2-.Ltmp2, $4  }
0x53: {  	[tilespmem:s21+$0x48D0] =	vst v0  }
0x54: {  	[tilespmem:s21+$0x8E0] =	vst v0  }
0x55: {  	[tilespmem:s21+$0x48E0] =	vst v0  }
0x56: {  	[tilespmem:s21+$0x8F0] =	vst v0;
	s21 =	sshra.s32 s22, $0x2;
	s22 =	sadd.s32 $0x400, s22  }
0x57: {  	[tilespmem:s21+$0x48F0] =	vst v0  }
0x58: {  	[tilespmem:s21+$0x800] =	vst v0  }
0x59: {  	[tilespmem:s21+$0x4800] =	vst v0  }
0x5a: {  	[tilespmem:s21+$0x810] =	vst v0  }
0x5b: {  	[tilespmem:s21+$0x4810] =	vst v0  }
0x5c: {  	[tilespmem:s21+$0x820] =	vst v0  }
0x5d: {  	[tilespmem:s21+$0x4820] =	vst v0  }
0x5e: {  	[tilespmem:s21+$0x830] =	vst v0  }
0x5f: {  	[tilespmem:s21+$0x4830] =	vst v0  }
0x60: {  	[tilespmem:s21+$0x840] =	vst v0  }
0x61: {  	[tilespmem:s21+$0x4840] =	vst v0  }
0x62: {  	[tilespmem:s21+$0x850] =	vst v0  }
0x63: {  	[tilespmem:s21+$0x4850] =	vst v0  }
0x64: {  	[tilespmem:s21+$0x860] =	vst v0  }
0x65: {  	[tilespmem:s21+$0x4860] =	vst v0  }
0x66: {  	[tilespmem:s21+$0x870] =	vst v0  }
0x67: {  	[tilespmem:s21+$0x4870] =	vst v0  }
0x68: {  	[tilespmem:s21+$0x880] =	vst v0  }
0x69: {  	[tilespmem:s21+$0x4880] =	vst v0  }
0x6a: {  	[tilespmem:s21+$0x890] =	vst v0  }
0x6b: {  	[tilespmem:s21+$0x4890] =	vst v0  }
0x6c: {  	[tilespmem:s21+$0x8A0] =	vst v0  }
0x6d: {  	[tilespmem:s21+$0x48A0] =	vst v0  }
0x6e: {  	[tilespmem:s21+$0x8B0] =	vst v0  }
0x6f: {  	[tilespmem:s21+$0x48B0] =	vst v0  }
0x70: {  	[tilespmem:s21+$0x8C0] =	vst v0  }
0x71: {  	[tilespmem:s21+$0x48C0] =	vst v0  }
.Ltmp3:
0x72: {  	[tilespmem:s21+$0x8D0] =	vst v0;
	(pc) =	sbr.rel @p0 .LBB2_5-.Ltmp3, $4  }
0x73: {  	[tilespmem:s21+$0x48D0] =	vst v0  }
0x74: {  	[tilespmem:s21+$0x8E0] =	vst v0  }
0x75: {  	[tilespmem:s21+$0x48E0] =	vst v0  }
0x76: {  	[tilespmem:s21+$0x8F0] =	vst v0  }
0x77: {  	[tilespmem:$0x9000] =	vst v0  }
0x78: {  	[tilespmem:$0x9010] =	vst v0  }
0x79: {  	[tilespmem:$0x9020] =	vst v0  }
0x7a: {  	[tilespmem:$0x9030] =	vst v0  }
0x7b: {  	[tilespmem:$0x9040] =	vst v0  }
0x7c: {  	[tilespmem:$0x9050] =	vst v0  }
0x7d: {  	[tilespmem:$0x9060] =	vst v0  }
0x7e: {  	[tilespmem:$0x9070] =	vst v0  }
0x7f: {  	[tilespmem:$0x9080] =	vst v0  }
0x80: {  	[tilespmem:$0x9090] =	vst v0  }
0x81: {  	[tilespmem:$0x90A0] =	vst v0  }
0x82: {  	[tilespmem:$0x90B0] =	vst v0  }
0x83: {  	[tilespmem:$0x90C0] =	vst v0  }
0x84: {  	[tilespmem:$0x90D0] =	vst v0  }
0x85: {  	[tilespmem:$0x90E0] =	vst v0  }
0x86: {  	[tilespmem:$0x90F0] =	vst v0  }
0x87: {  	[tilespmem:$0x9100] =	vst v0  }
0x88: {  	[tilespmem:$0x9110] =	vst v0  }
0x89: {  	[tilespmem:$0x9120] =	vst v0  }
0x8a: {  	[tilespmem:$0x9130] =	vst v0  }
0x8b: {  	[tilespmem:$0x9140] =	vst v0  }
0x8c: {  	[tilespmem:$0x9150] =	vst v0  }
0x8d: {  	[tilespmem:$0x9160] =	vst v0  }
0x8e: {  	[tilespmem:$0x9170] =	vst v0  }
0x8f: {  	[tilespmem:$0x9180] =	vst v0  }
0x90: {  	[tilespmem:$0x9190] =	vst v0  }
0x91: {  	[tilespmem:$0x91A0] =	vst v0  }
0x92: {  	[tilespmem:$0x91B0] =	vst v0  }
0x93: {  	[tilespmem:$0x91C0] =	vst v0  }
0x94: {  	[tilespmem:$0x91D0] =	vst v0  }
0x95: {  	[tilespmem:$0x91E0] =	vst v0  }
0x96: {  	[tilespmem:$0x91F0] =	vst v0  }
0x97: {  	[tilespmem:$0x9200] =	vst v0  }
0x98: {  	[tilespmem:$0x9210] =	vst v0  }
0x99: {  	[tilespmem:$0x9220] =	vst v0  }
0x9a: {  	[tilespmem:$0x9230] =	vst v0  }
0x9b: {  	[tilespmem:$0x9240] =	vst v0  }
0x9c: {  	[tilespmem:$0x9250] =	vst v0  }
0x9d: {  	[tilespmem:$0x9260] =	vst v0  }
0x9e: {  	[tilespmem:$0x9270] =	vst v0  }
0x9f: {  	[tilespmem:$0x9280] =	vst v0  }
0xa0: {  	[tilespmem:$0x9290] =	vst v0  }
0xa1: {  	[tilespmem:$0x92A0] =	vst v0  }
0xa2: {  	[tilespmem:$0x92B0] =	vst v0  }
0xa3: {  	[tilespmem:$0x92C0] =	vst v0  }
0xa4: {  	[tilespmem:$0x92D0] =	vst v0  }
0xa5: {  	[tilespmem:$0x92E0] =	vst v0  }
0xa6: {  	[tilespmem:$0x92F0] =	vst v0  }
0xa7: {  	[tilespmem:$0x9300] =	vst v0  }
0xa8: {  	[tilespmem:$0x9310] =	vst v0  }
0xa9: {  	[tilespmem:$0x9320] =	vst v0  }
0xaa: {  	[tilespmem:$0x9330] =	vst v0  }
0xab: {  	[tilespmem:$0x9340] =	vst v0  }
0xac: {  	[tilespmem:$0x9350] =	vst v0  }
0xad: {  	[tilespmem:$0x9360] =	vst v0  }
0xae: {  	[tilespmem:$0x9370] =	vst v0  }
0xaf: {  	[tilespmem:$0x9380] =	vst v0  }
0xb0: {  	[tilespmem:$0x9390] =	vst v0  }
0xb1: {  	[tilespmem:$0x93A0] =	vst v0  }
0xb2: {  	[tilespmem:$0x93B0] =	vst v0  }
0xb3: {  	[tilespmem:$0x93C0] =	vst v0  }
0xb4: {  	[tilespmem:$0x93D0] =	vst v0  }
0xb5: {  	[tilespmem:$0x93E0] =	vst v0  }
0xb6: {  	[tilespmem:$0x93F0] =	vst v0  }
0xb7: {  	[spmem:s2] =	stream.linear.scatter [tilespmem:s12], [sflag:$0x1], $0x400, $0x38;
	[tilespmem:$0x9D80] =	vst v63  }
0xb8: {  	_ =	swait.ge [sflag:s10], $0x400  }
0xb9: {  	[sflag:s10] =	ssyncset.done $0x0  }
0xba: {  	[sflag:s10] =	ssyncadd.s32 $0xFFFFFC00  }
0xbb: {  	[spmem:s3] =	stream.linear.scatter [tilespmem:s12], [sflag:$0x1], $0x400, $0x38;
	[tilespmem:$0x9D80] =	vst v63  }
0xbc: {  	_ =	swait.ge [sflag:s10], $0x400  }
0xbd: {  	[sflag:s10] =	ssyncset.done $0x0  }
0xbe: {  	[sflag:s10] =	ssyncadd.s32 $0xFFFFFC00  }
.LBB2_5:
0xbf: {  	s21 =	simm.s32 $0x0  }
.LBB2_6:
0xc0: {  	s22 =	sshra.s32 s21, $0x2  }
0xc1: {  	v3 =	vld [tilespmem:s22+$0x0];
	_ =	sdelay $0x3  }
0xc2: {  	v4 =	vld [tilespmem:s22+$0x400]  }
0xc3: {  	v5 =	vadd.s32 v2, v3;
	_ =	sdelay $0x3  }
0xc4: {  	vm0 =	veq.s32 v3, v4  }
0xc5: {  	v3 =	vsel vm0, $0x3F800000, v0;
	[tilespmem:v5+s13+$0x0] =	vst.idx.add.f32.msk $0xffff, v1  }
0xc6: {  	[tilespmem:v5+s14+$0x0] =	vst.idx.add.f32.msk $0xffff, v3  }
0xc7: {  	v3 =	vld [tilespmem:s22+$0x10];
	_ =	sdelay $0x3  }
0xc8: {  	v50 =	vld [tilespmem:s22+$0x410]  }
0xc9: {  	v51 =	vadd.s32 v2, v3;
	_ =	sdelay $0x3  }
0xca: {  	vm9 =	veq.s32 v3, v50  }
0xcb: {  	v3 =	vsel vm9, $0x3F800000, v0;
	[tilespmem:v51+s13+$0x0] =	vst.idx.add.f32.msk $0xffff, v1  }
0xcc: {  	[tilespmem:v51+s14+$0x0] =	vst.idx.add.f32.msk $0xffff, v3  }
0xcd: {  	v3 =	vld [tilespmem:s22+$0x20];
	_ =	sdelay $0x3  }
0xce: {  	v52 =	vld [tilespmem:s22+$0x420]  }
0xcf: {  	v53 =	vadd.s32 v2, v3;
	_ =	sdelay $0x3  }
0xd0: {  	vm10 =	veq.s32 v3, v52  }
0xd1: {  	v3 =	vsel vm10, $0x3F800000, v0;
	[tilespmem:v53+s13+$0x0] =	vst.idx.add.f32.msk $0xffff, v1  }
0xd2: {  	[tilespmem:v53+s14+$0x0] =	vst.idx.add.f32.msk $0xffff, v3  }
0xd3: {  	v3 =	vld [tilespmem:s22+$0x30];
	_ =	sdelay $0x3  }
0xd4: {  	v54 =	vld [tilespmem:s22+$0x430]  }
0xd5: {  	v55 =	vadd.s32 v2, v3;
	_ =	sdelay $0x3  }
0xd6: {  	vm11 =	veq.s32 v3, v54  }
0xd7: {  	v3 =	vsel vm11, $0x3F800000, v0;
	[tilespmem:v55+s13+$0x0] =	vst.idx.add.f32.msk $0xffff, v1  }
0xd8: {  	[tilespmem:v55+s14+$0x0] =	vst.idx.add.f32.msk $0xffff, v3  }
0xd9: {  	v3 =	vld [tilespmem:s22+$0x40];
	_ =	sdelay $0x3  }
0xda: {  	v56 =	vld [tilespmem:s22+$0x440]  }
0xdb: {  	v57 =	vadd.s32 v2, v3;
	_ =	sdelay $0x3  }
0xdc: {  	vm12 =	veq.s32 v3, v56  }
0xdd: {  	v3 =	vsel vm12, $0x3F800000, v0;
	[tilespmem:v57+s13+$0x0] =	vst.idx.add.f32.msk $0xffff, v1  }
0xde: {  	[tilespmem:v57+s14+$0x0] =	vst.idx.add.f32.msk $0xffff, v3  }
0xdf: {  	v3 =	vld [tilespmem:s22+$0x50];
	_ =	sdelay $0x3  }
0xe0: {  	v58 =	vld [tilespmem:s22+$0x450]  }
0xe1: {  	v59 =	vadd.s32 v2, v3;
	_ =	sdelay $0x3  }
0xe2: {  	vm13 =	veq.s32 v3, v58  }
0xe3: {  	v3 =	vsel vm13, $0x3F800000, v0;
	[tilespmem:v59+s13+$0x0] =	vst.idx.add.f32.msk $0xffff, v1  }
0xe4: {  	[tilespmem:v59+s14+$0x0] =	vst.idx.add.f32.msk $0xffff, v3  }
0xe5: {  	v3 =	vld [tilespmem:s22+$0x60];
	_ =	sdelay $0x3  }
0xe6: {  	v60 =	vld [tilespmem:s22+$0x460]  }
0xe7: {  	v61 =	vadd.s32 v2, v3;
	_ =	sdelay $0x3  }
0xe8: {  	vm14 =	veq.s32 v3, v60  }
0xe9: {  	v3 =	vsel vm14, $0x3F800000, v0;
	[tilespmem:v61+s13+$0x0] =	vst.idx.add.f32.msk $0xffff, v1  }
0xea: {  	[tilespmem:v61+s14+$0x0] =	vst.idx.add.f32.msk $0xffff, v3  }
0xeb: {  	v3 =	vld [tilespmem:s22+$0x70];
	_ =	sdelay $0x3  }
0xec: {  	v62 =	vld [tilespmem:s22+$0x470]  }
0xed: {  	v63 =	vadd.s32 v2, v3  }
0xee: {  	p2 =	sne.s32 s21, $0xE00  }
.Ltmp4:
0xef: {  	_ = 	snop;
	(pc) =	sbr.rel @p2 .LBB2_6-.Ltmp4, $4  }
0xf0: {  	_ = 	snop  }
0xf1: {  	vm15 =	veq.s32 v3, v62  }
0xf2: {  	v3 =	vsel vm15, $0x3F800000, v0;
	[tilespmem:v63+s13+$0x0] =	vst.idx.add.f32.msk $0xffff, v1  }
0xf3: {  	s21 =	sadd.s32 $0x200, s21;
	[tilespmem:v63+s14+$0x0] =	vst.idx.add.f32.msk $0xffff, v3  }
0xf4: {  	s21 =	simm.s32 $0x0  }
0xf5: {  	v3 =	vld [tilespmem:s21+$0x4800]  }
0xf6: {  	v4 =	vld [tilespmem:s21+$0x800]  }
0xf7: {  	v5 =	vld [tilespmem:s21+$0x4C00]  }
0xf8: {  	v6 =	vld [tilespmem:s21+$0xC00]  }
0xf9: {  	v7 =	vld [tilespmem:s21+$0x5000]  }
0xfa: {  	v8 =	vld [tilespmem:s21+$0x1000];
	v3 =	vadd.f32 $0.0e+00, v3  }
0xfb: {  	v9 =	vld [tilespmem:s21+$0x5400];
	v4 =	vadd.f32 $0.0e+00, v4  }
0xfc: {  	v3 =	vadd.f32 v5, v3;
	v5 =	vld [tilespmem:s21+$0x1400]  }
0xfd: {  	v10 =	vld [tilespmem:s21+$0x5800];
	v4 =	vadd.f32 v6, v4  }
0xfe: {  	v6 =	vld [tilespmem:s21+$0x1800];
	v3 =	vadd.f32 v7, v3  }
0xff: {  	v7 =	vld [tilespmem:s21+$0x5C00];
	v4 =	vadd.f32 v8, v4  }
0x100: {  	v8 =	vld [tilespmem:s21+$0x1C00];
	v3 =	vadd.f32 v9, v3  }
0x101: {  	v9 =	vld [tilespmem:s21+$0x6000];
	v4 =	vadd.f32 v5, v4  }
0x102: {  	v5 =	vld [tilespmem:s21+$0x2000];
	v3 =	vadd.f32 v10, v3  }
0x103: {  	v10 =	vld [tilespmem:s21+$0x6400];
	v4 =	vadd.f32 v6, v4  }
0x104: {  	v6 =	vld [tilespmem:s21+$0x2400];
	v3 =	vadd.f32 v7, v3  }
0x105: {  	v7 =	vld [tilespmem:s21+$0x6800];
	v4 =	vadd.f32 v8, v4  }
0x106: {  	v8 =	vld [tilespmem:s21+$0x2800];
	v3 =	vadd.f32 v9, v3  }
0x107: {  	v9 =	vld [tilespmem:s21+$0x6C00];
	v4 =	vadd.f32 v5, v4  }
0x108: {  	v5 =	vld [tilespmem:s21+$0x2C00];
	v3 =	vadd.f32 v10, v3  }
0x109: {  	v10 =	vld [tilespmem:s21+$0x7000];
	v4 =	vadd.f32 v6, v4  }
0x10a: {  	v6 =	vld [tilespmem:s21+$0x3000];
	v3 =	vadd.f32 v7, v3  }
0x10b: {  	v7 =	vld [tilespmem:s21+$0x7400];
	v4 =	vadd.f32 v8, v4  }
0x10c: {  	v8 =	vld [tilespmem:s21+$0x3400];
	v3 =	vadd.f32 v9, v3  }
0x10d: {  	v9 =	vld [tilespmem:s21+$0x7800];
	v4 =	vadd.f32 v5, v4  }
0x10e: {  	v3 =	vadd.f32 v10, v3;
	v10 =	vld [tilespmem:s21+$0x3800]  }
0x10f: {  	v11 =	vld [tilespmem:s21+$0x7C00];
	v5 =	vadd.f32 v6, v4  }
0x110: {  	v6 =	vadd.f32 v7, v3;
	v3 =	vld [tilespmem:s21+$0x3C00]  }
0x111: {  	v4 =	vld [tilespmem:s21+$0x8000];
	v7 =	vadd.f32 v8, v5  }
0x112: {  	v5 =	vld [tilespmem:s21+$0x4000];
	v9 =	vadd.f32 v9, v6  }
0x113: {  	v6 =	vld [tilespmem:s21+$0x8400];
	v8 =	vadd.f32 v10, v7  }
0x114: {  	s22 =	simm.s32 $0x10;
	s23 =	simm.s32 $0x80;
	v7 =	vld [tilespmem:s21+$0x4400];
	v9 =	vadd.f32 v11, v9  }
.LBB2_8:
0x115: {  	p2 =	sne.s32 s23, $0xFC0;
	v10 =	vld [tilespmem:s22+$0x4800];
	v3 =	vadd.f32 v3, v8  }
0x116: {  	v8 =	vld [tilespmem:s22+$0x800];
	v4 =	vadd.f32 v4, v9  }
0x117: {  	v9 =	vld [tilespmem:s22+$0x4C00];
	v3 =	vadd.f32 v5, v3  }
0x118: {  	v5 =	vld [tilespmem:s22+$0xC00];
	v4 =	vadd.f32 v6, v4  }
0x119: {  	v6 =	vld [tilespmem:s22+$0x5000];
	v3 =	vadd.f32 v7, v3  }
0x11a: {  	v7 =	vadd.f32 $0.0e+00, v10;
	v10 =	vld [tilespmem:s22+$0x1000];
	[tilespmem:s21+$0x8C00] =	vst v4  }
0x11b: {  	v4 =	vadd.f32 $0.0e+00, v8;
	v8 =	vld [tilespmem:s22+$0x5400];
	[tilespmem:s21+$0x8800] =	vst v3;
	s21 =	smov.u32 s22  }
0x11c: {  	v3 =	vadd.f32 v9, v7;
	v7 =	vld [tilespmem:s21+$0x1400]  }
0x11d: {  	v4 =	vadd.f32 v5, v4;
	v5 =	vld [tilespmem:s21+$0x5800]  }
0x11e: {  	v3 =	vadd.f32 v6, v3;
	v6 =	vld [tilespmem:s21+$0x1800]  }
0x11f: {  	v4 =	vadd.f32 v10, v4;
	v9 =	vld [tilespmem:s21+$0x5C00]  }
0x120: {  	v3 =	vadd.f32 v8, v3;
	v8 =	vld [tilespmem:s21+$0x1C00]  }
0x121: {  	v4 =	vadd.f32 v7, v4;
	v7 =	vld [tilespmem:s21+$0x6000]  }
0x122: {  	v3 =	vadd.f32 v5, v3;
	v5 =	vld [tilespmem:s21+$0x2000]  }
0x123: {  	v4 =	vadd.f32 v6, v4;
	v6 =	vld [tilespmem:s21+$0x6400]  }
0x124: {  	v3 =	vadd.f32 v9, v3;
	v9 =	vld [tilespmem:s21+$0x2400]  }
0x125: {  	v4 =	vadd.f32 v8, v4;
	v8 =	vld [tilespmem:s21+$0x6800]  }
0x126: {  	v3 =	vadd.f32 v7, v3;
	v7 =	vld [tilespmem:s21+$0x2800]  }
0x127: {  	v4 =	vadd.f32 v5, v4;
	v5 =	vld [tilespmem:s21+$0x6C00]  }
0x128: {  	v3 =	vadd.f32 v6, v3;
	v6 =	vld [tilespmem:s21+$0x2C00]  }
0x129: {  	v4 =	vadd.f32 v9, v4;
	v9 =	vld [tilespmem:s21+$0x7000]  }
0x12a: {  	v3 =	vadd.f32 v8, v3;
	v8 =	vld [tilespmem:s21+$0x3000]  }
0x12b: {  	v4 =	vadd.f32 v7, v4;
	v7 =	vld [tilespmem:s21+$0x7400]  }
0x12c: {  	v3 =	vadd.f32 v5, v3;
	v5 =	vld [tilespmem:s21+$0x3400]  }
0x12d: {  	v4 =	vadd.f32 v6, v4;
	v6 =	vld [tilespmem:s21+$0x7800]  }
0x12e: {  	v3 =	vadd.f32 v9, v3;
	v9 =	vld [tilespmem:s21+$0x3800]  }
0x12f: {  	v4 =	vadd.f32 v8, v4;
	v10 =	vld [tilespmem:s21+$0x7C00]  }
.Ltmp5:
0x130: {  	v7 =	vadd.f32 v7, v3;
	v3 =	vld [tilespmem:s21+$0x3C00];
	(pc) =	sbr.rel @p2 .LBB2_8-.Ltmp5, $4  }
0x131: {  	v8 =	vadd.f32 v5, v4;
	v4 =	vld [tilespmem:s21+$0x8000]  }
0x132: {  	v7 =	vadd.f32 v6, v7;
	v5 =	vld [tilespmem:s21+$0x4000]  }
0x133: {  	v8 =	vadd.f32 v9, v8;
	v6 =	vld [tilespmem:s21+$0x8400]  }
0x134: {  	s22 =	sshra.s32 s23, $0x2;
	s23 =	sadd.s32 $0x40, s23;
	v9 =	vadd.f32 v10, v7;
	v7 =	vld [tilespmem:s21+$0x4400]  }
0x135: {  	v10 =	vld [tilespmem:s22+$0x4800];
	v3 =	vadd.f32 v3, v8  }
0x136: {  	v11 =	vld [tilespmem:s22+$0x800];
	v4 =	vadd.f32 v4, v9  }
0x137: {  	v31 =	vld [tilespmem:s22+$0x4C00];
	v3 =	vadd.f32 v5, v3  }
0x138: {  	v32 =	vld [tilespmem:s22+$0xC00];
	v4 =	vadd.f32 v6, v4  }
0x139: {  	v33 =	vld [tilespmem:s22+$0x5000];
	v3 =	vadd.f32 v7, v3  }
0x13a: {  	v34 =	vld [tilespmem:s22+$0x1000];
	[tilespmem:s21+$0x8C00] =	vst v4;
	v35 =	vadd.f32 $0.0e+00, v10  }
0x13b: {  	v37 =	vadd.f32 $0.0e+00, v11;
	v36 =	vld [tilespmem:s22+$0x5400];
	[tilespmem:s21+$0x8800] =	vst v3  }
0x13c: {  	v3 =	vadd.f32 v31, v35;
	v38 =	vld [tilespmem:s22+$0x1400]  }
0x13d: {  	v39 =	vadd.f32 v32, v37;
	v40 =	vld [tilespmem:s22+$0x5800]  }
0x13e: {  	v41 =	vld [tilespmem:s22+$0x1800];
	v3 =	vadd.f32 v33, v3  }
0x13f: {  	v42 =	vld [tilespmem:s22+$0x5C00];
	v6 =	vadd.f32 v34, v39  }
0x140: {  	v43 =	vld [tilespmem:s22+$0x1C00];
	v3 =	vadd.f32 v36, v3  }
0x141: {  	v44 =	vld [tilespmem:s22+$0x6000];
	v4 =	vadd.f32 v38, v6  }
0x142: {  	v45 =	vld [tilespmem:s22+$0x2000];
	v3 =	vadd.f32 v40, v3  }
0x143: {  	v46 =	vld [tilespmem:s22+$0x6400];
	v4 =	vadd.f32 v41, v4  }
0x144: {  	v47 =	vld [tilespmem:s22+$0x2400];
	v3 =	vadd.f32 v42, v3  }
0x145: {  	v48 =	vld [tilespmem:s22+$0x6800];
	v4 =	vadd.f32 v43, v4  }
0x146: {  	v49 =	vld [tilespmem:s22+$0x2800];
	v3 =	vadd.f32 v44, v3  }
0x147: {  	v50 =	vld [tilespmem:s22+$0x6C00];
	v4 =	vadd.f32 v45, v4  }
0x148: {  	v51 =	vld [tilespmem:s22+$0x2C00];
	v3 =	vadd.f32 v46, v3  }
0x149: {  	v52 =	vld [tilespmem:s22+$0x7000];
	v4 =	vadd.f32 v47, v4  }
0x14a: {  	v53 =	vld [tilespmem:s22+$0x3000];
	v3 =	vadd.f32 v48, v3  }
0x14b: {  	v54 =	vld [tilespmem:s22+$0x7400];
	v4 =	vadd.f32 v49, v4  }
0x14c: {  	v55 =	vld [tilespmem:s22+$0x3400];
	v3 =	vadd.f32 v50, v3  }
0x14d: {  	v56 =	vld [tilespmem:s22+$0x7800];
	v4 =	vadd.f32 v51, v4  }
0x14e: {  	v57 =	vld [tilespmem:s22+$0x3800];
	v3 =	vadd.f32 v52, v3  }
0x14f: {  	v58 =	vld [tilespmem:s22+$0x7C00];
	v4 =	vadd.f32 v53, v4  }
0x150: {  	v59 =	vld [tilespmem:s22+$0x3C00];
	v3 =	vadd.f32 v54, v3  }
0x151: {  	v60 =	vld [tilespmem:s22+$0x8000];
	v4 =	vadd.f32 v55, v4  }
0x152: {  	v61 =	vld [tilespmem:s22+$0x4000];
	v3 =	vadd.f32 v56, v3  }
0x153: {  	v62 =	vld [tilespmem:s22+$0x8400];
	v4 =	vadd.f32 v57, v4  }
0x154: {  	v63 =	vld [tilespmem:s22+$0x4400];
	v3 =	vadd.f32 v58, v3  }
0x155: {  	v4 =	vadd.f32 v59, v4  }
0x156: {  	v3 =	vadd.f32 v60, v3  }
0x157: {  	v4 =	vadd.f32 v61, v4  }
0x158: {  	v3 =	vadd.f32 v62, v3  }
0x159: {  	v4 =	vadd.f32 v63, v4  }
0x15a: {  	[tilespmem:s22+$0x8C00] =	vst v3  }
0x15b: {  	[tilespmem:s22+$0x8800] =	vst v4  }
0x15c: {  	[bflag:$0x0] =	sbarrier.arrive $0xFFFF  }
0x15d: {  	[spmem:s2] =	stream.indirect.scatter.add.f32 [tilespmem:s15], [sflag:$0x1], $0x400, s9, s10, $0xb8;
	[tilespmem:$0x9D80] =	vst v63  }
0x15e: {  	_ =	swait.ge [sflag:s10], $0x400  }
0x15f: {  	[sflag:s10] =	ssyncset.done $0x0  }
0x160: {  	[sflag:s10] =	ssyncadd.s32 $0xFFFFFC00  }
0x161: {  	[spmem:s3] =	stream.indirect.scatter.add.f32 [tilespmem:s16], [sflag:$0x1], $0x400, s9, s10, $0xb8;
	[tilespmem:$0x9D80] =	vst v63  }
.Ltmp6:
0x162: {  	_ =	swait.ge [sflag:s10], $0x400;
	(pc) =	sbr.rel @p1 .LBB2_13-.Ltmp6, $3  }
0x163: {  	[sflag:s10] =	ssyncset.done $0x0  }
0x164: {  	[sflag:s10] =	ssyncadd.s32 $0xFFFFFC00  }
0x165: {  	[bflag:$0x0] =	sbarrier.arrive $0xFFFF;
	_ =	sdelay $0x1  }
0x166: {  	[tilespmem:s17], [sflag:$0x1] =	stream.linear.gather [spmem:s2], $0x400, $0x38;
	[tilespmem:$0x9D80] =	vst v63  }
0x167: {  	_ =	swait.ge [sflag:s10], $0x400  }
0x168: {  	[sflag:s10] =	ssyncset.done $0x0  }
0x169: {  	[sflag:s10] =	ssyncadd.s32 $0xFFFFFC00  }
0x16a: {  	[tilespmem:s18], [sflag:$0x1] =	stream.linear.gather [spmem:s3], $0x400, $0x38;
	[tilespmem:$0x9D80] =	vst v63  }
0x16b: {  	_ =	swait.ge [sflag:s10], $0x400  }
0x16c: {  	[sflag:s10] =	ssyncset.done $0x0  }
0x16d: {  	s23 =	simm.s32 $0x0;
	[sflag:s10] =	ssyncadd.s32 $0xFFFFFC00  }
0x16e: {  	v3 =	vld [tilespmem:s23+$0x9400];
	_ =	sdelay $0x4  }
0x16f: {  	s21 =	simm.s32 $0x10;
	vm0 =	vgt.f32 v3, $0.0e+00  }
0x170: {  	v5 =	vld [tilespmem:s21+$0x9400];
	v3 =	vnsel vm0, $0x3F800000, v3  }
0x171: {  	(erf) = vrcp.f32 v3;
	_ =	sdelay $0x3  }
0x172: {  	s22 =	simm.s32 $0x20;
	v4 =	vld [tilespmem:s23+$0x9800];
	vm1 =	vgt.f32 v5, $0.0e+00  }
0x173: {  	v6 =	vnsel vm1, $0x3F800000, v5;
	v5 =	vld [tilespmem:s22+$0x9400]  }
0x174: {  	(erf) = vrcp.f32 v6;
	_ =	sdelay $0x1  }
0x175: {  	vm0 =	vmmov vm0  }
0x176: {  	s23 =	simm.s32 $0xC0;
	vm1 =	vmmov vm1;
	v3 =	vimm.f32 $0.0e+00;
	vm0 =	vmmov vm0;
	v6 =	vpop (erf)  }
.LBB2_11:
0x177: {  	s24 =	sshra.s32 s23, $0x2;
	p2 =	sne.s32 s23, $0xFC0;
	s23 =	sadd.s32 $0x40, s23;
	vm2 =	vgt.f32 v5, $0.0e+00;
	v6 =	vmul.f32 v6, v4;
	v4 =	vld [tilespmem:s21+$0x9800]  }
.Ltmp7:
0x178: {  	s21 =	smov.u32 s22;
	v7 =	vnsel vm2, $0x3F800000, v5;
	v5 =	vld [tilespmem:s24+$0x9400];
	s22 =	smov.u32 s24;
	(pc) =	sbr.rel @p2 .LBB2_11-.Ltmp7, $3  }
0x179: {  	(erf) = vrcp.f32 v7;
	v6 =	vnsel vm0, $0x0, v6;
	vm0 =	vmmov vm1  }
0x17a: {  	vm1 =	vmmov vm2;
	v3 =	vadd.f32 v6, v3;
	_ =	sdelay $0x1  }
0x17b: {  	v6 =	vpop (erf)  }
.Ltmp8:
0x17c: {  	_ = 	snop;
	(pc) =	sbr.rel .LBB2_12-.Ltmp8, $1  }
0x17d: {  	_ =	sdelay $0x3  }
.LBB2_14:
0x17e: {  	_ =	sfence.sel $0x180000  }
0x17f: {  	[bflag:$0x0] =	sbarrier.arrive $0xFFFF  }
0x180: {  	_ =	strace $0x90000047  }
0x181: {  	s0 =	sadd.s32 @!p0 $0x100000, s0;
	[bflag:$0x2] =	sbarrier.arrive $0xFFFF  }
0x182: {  	[sflag:s0] =	ssyncadd.tile.s32 @!p0 $0x1;
	_ =	shalt  }
.Lfunc_end2:
_tile_overlayer_lowered:
.L_overlay_start_2:
0x183: {  	(tag) =	ssettag $0x2  }
0x184: {  	s0 =	rddreg [dreg:$0x0];
	s2 =	stileid.u32  }
0x185: {  	s1 =	rddreg [dreg:$0x1];
	p0 =	sne.s32 s2, $0x0  }
0x186: {  	s3 =	rddreg [dreg:$0x2];
	[bflag:$0x3] =	sbarrier.arrive $0xFFFF;
	s2 =	simm.s32 @!p0 $0x1C01  }
0x187: {  	[timem:s3], [sflag:s2] =	dma.local @!p0 [hbm:s0], s1  }
0x188: {  	s0 =	simm.s32 @!p0 $0x1  }
0x189: {  	_ =	swait.ge @!p0 [sflag:s0], s1  }
0x18a: {  	s1 =	ssub.s32 @!p0 $0x0, s1;
	[sflag:s0] =	ssyncset.done @!p0 $0x0  }
0x18b: {  	[sflag:s0] =	ssyncadd.s32 @!p0 s1  }
0x18c: {  	[bflag:$0x3] =	sbarrier.arrive $0xFFFF  }
0x18d: {  	_ =	shalt  }

</sc_bundles>
